<compile_context>
chip_gen: v7x
topology: tpu7x:2x2x1
jax: 0.10.2.dev20260603
libtpu: 0.0.44.dev20260713+nightly
codegen_flags: <defaults>
</compile_context>

<pallas_src>
import functools

import jax
import jax.numpy as jnp
from jax import lax
from jax.experimental import pallas as pl
from jax.experimental.pallas import tpu as pltpu
from jax.experimental.pallas import tpu_sc as plsc

D = 64
K = 1024
B = 32
T = 576
GRP = 16
TPAD = 640
N = B * T

_COMMIT = 0.25

_NW = 32
_BPW = N // _NW
_CHUNK = 128
_NFULL = _BPW // _CHUNK
_TAIL = _BPW - _NFULL * _CHUNK


def _tc_body(xt_ref, e_ref, idx_ref, loss_ref, perp_ref, counts_acc, e2col, sse_acc):
    step = pl.program_id(0)

    e = e_ref[...]

    @pl.when(step == 0)
    def _init():
        counts_acc[...] = jnp.zeros_like(counts_acc)
        sse_acc[...] = jnp.zeros_like(sse_acc)
        e2 = jnp.sum(e * e, axis=0, keepdims=True)
        e2col[...] = e2.reshape(K, 1)

    e2c = e2col[...]
    for g in range(GRP):
        xt = xt_ref[g]
        s2 = lax.dot_general(
            e, xt * jnp.float32(-2.0),
            (((0,), (0,)), ((), ())),
            preferred_element_type=jnp.float32,
        )
        x2 = jnp.sum(xt * xt, axis=0, keepdims=True)
        d = (x2 + s2) + e2c

        dmin = jnp.min(d, axis=0, keepdims=True)
        iota = lax.broadcasted_iota(jnp.int32, (K, T), 0).astype(jnp.float32)
        masked = jnp.where(d == dmin, iota, jnp.float32(K))
        idxf = jnp.min(masked, axis=0, keepdims=True)
        idx_ref[g, 0, pl.ds(0, T)] = idxf.astype(jnp.int32).reshape(T)

        onehot = jnp.where(masked == idxf, jnp.float32(1.0), jnp.float32(0.0))
        counts_acc[...] += onehot
        sse_acc[...] += dmin

    @pl.when(step == pl.num_programs(0) - 1)
    def _finish():
        counts = jnp.sum(counts_acc[...], axis=1, keepdims=True)
        p = counts / jnp.float32(N)
        ent = -jnp.sum(p * jnp.log(p + 1e-10))
        perp_ref[0, 0] = jnp.exp(ent)
        loss_ref[0, 0] = (1.0 + _COMMIT) * jnp.sum(sse_acc[...]) / jnp.float32(N * D)


_tc_call = pl.pallas_call(
    _tc_body,
    grid=(B // GRP,),
    in_specs=[
        pl.BlockSpec((GRP, D, T), lambda i: (i, 0, 0)),
        pl.BlockSpec((D, K), lambda i: (0, 0)),
    ],
    out_specs=[
        pl.BlockSpec((GRP, 1, TPAD), lambda i: (i, 0, 0)),
        pl.BlockSpec(memory_space=pltpu.SMEM, block_shape=(1, 1), index_map=lambda i: (0, 0)),
        pl.BlockSpec(memory_space=pltpu.SMEM, block_shape=(1, 1), index_map=lambda i: (0, 0)),
    ],
    out_shape=[
        jax.ShapeDtypeStruct((B, 1, TPAD), jnp.int32),
        jax.ShapeDtypeStruct((1, 1), jnp.float32),
        jax.ShapeDtypeStruct((1, 1), jnp.float32),
    ],
    scratch_shapes=[
        pltpu.VMEM((K, T), jnp.float32),
        pltpu.VMEM((K, 1), jnp.float32),
        pltpu.VMEM((1, T), jnp.float32),
    ],
)


@functools.lru_cache(maxsize=None)
def _make_sc_gather():
    @functools.partial(
        pl.kernel,
        mesh=plsc.VectorSubcoreMesh(core_axis_name="c", subcore_axis_name="s"),
        out_type=jax.ShapeDtypeStruct((B, T, D), jnp.float32),
        scratch_types=[
            pltpu.VMEM((_BPW,), jnp.int32),
            pltpu.VMEM((_BPW, D), jnp.float32),
            pltpu.SemaphoreType.DMA,
        ],
        compiler_params=pltpu.CompilerParams(use_tc_tiling_on_sc=False),
    )
    def _sc_gather(table_hbm, idx_hbm, out_hbm, idx_v, rows_v, sem):
        wid = lax.axis_index("s") * 2 + lax.axis_index("c")
        pltpu.sync_copy(idx_hbm.at[wid, 0, pl.ds(0, _BPW)], idx_v)
        copies = []
        for j in range(_NFULL):
            copies.append(
                pltpu.async_copy(
                    table_hbm.at[idx_v.at[pl.ds(j * _CHUNK, _CHUNK)]],
                    rows_v.at[pl.ds(j * _CHUNK, _CHUNK)],
                    sem,
                )
            )
        copies.append(
            pltpu.async_copy(
                table_hbm.at[idx_v.at[pl.ds(_NFULL * _CHUNK, _TAIL)]],
                rows_v.at[pl.ds(_NFULL * _CHUNK, _TAIL)],
                sem,
            )
        )
        for c in copies:
            c.wait()
        pltpu.sync_copy(rows_v, out_hbm.at[wid])

    return _sc_gather


def kernel(inputs, embeddings):
    xt = jnp.transpose(inputs, (0, 2, 1))
    idx, loss, perp = _tc_call(xt, embeddings)
    table = embeddings.T
    quantized_st = _make_sc_gather()(table, idx)
    return quantized_st, loss.reshape(()), perp.reshape(())

# --- scband reference (transcript-rebuilt; emitter-appended) ---
"""Pipeline reference for scband-vqlayer-88751204205147 (READ-ONLY COPY).

The authoritative reference and input builder live on the scoring server;
editing this copy changes nothing except your own understanding.
"""

import jax, jax.numpy as jnp
import numpy as np

EMBEDDING_DIM = 64
NUM_EMBEDDINGS = 1024
COMMITMENT_COST = 0.25


def setup_inputs(seed: int = 0) -> dict:
    key = jax.random.key(seed)
    k1, k2 = jax.random.split(key)
    inputs = jax.random.normal(k1, (32, 576, EMBEDDING_DIM), dtype=jnp.float32)
    # glorot normal for [D, K]
    fan_in, fan_out = EMBEDDING_DIM, NUM_EMBEDDINGS
    std = jnp.sqrt(2.0 / (fan_in + fan_out))
    embeddings = jax.random.normal(k2, (EMBEDDING_DIM, NUM_EMBEDDINGS), dtype=jnp.float32) * std
    return {"inputs": inputs, "embeddings": embeddings}


def reference(inputs, embeddings):
    D = EMBEDDING_DIM
    K = NUM_EMBEDDINGS
    flat_inputs = inputs.reshape(-1, D)
    distances = (jnp.sum(flat_inputs ** 2, axis=1, keepdims=True)
                 - 2.0 * flat_inputs @ embeddings
                 + jnp.sum(embeddings ** 2, axis=0, keepdims=True))
    encoding_indices = jnp.argmin(distances, axis=1)
    encodings = jax.nn.one_hot(encoding_indices, K, dtype=jnp.float32)
    encoding_indices_r = encoding_indices.reshape(inputs.shape[:-1])
    quantized = jnp.take(embeddings.T, encoding_indices_r, axis=0)
    e_latent_loss = jnp.mean((jax.lax.stop_gradient(quantized) - inputs) ** 2)
    q_latent_loss = jnp.mean((quantized - jax.lax.stop_gradient(inputs)) ** 2)
    loss = q_latent_loss + COMMITMENT_COST * e_latent_loss
    quantized_st = inputs + jax.lax.stop_gradient(quantized - inputs)
    avg_probs = jnp.mean(encodings, axis=0)
    perplexity = jnp.exp(-jnp.sum(avg_probs * jnp.log(avg_probs + 1e-10)))
    return quantized_st, loss, perplexity

if __name__ == "__main__":
    import jax
    _d = setup_inputs()
    print(jax.jit(kernel)(*tuple(_d.values())))

</pallas_src>

<mosaic_0001>
#map = affine_map<(d0, d1) -> (0, 0)>
#map1 = affine_map<(d0, d1) -> (0, 0, 0)>
module attributes {stable_mosaic.version = 14 : i64} {
  func.func @_sc_gather(%arg0: i32, %arg1: i32, %arg2: memref<1024x64xf32, #tpu.memory_space<hbm>>, %arg3: memref<32x1x640xi32, #tpu.memory_space<hbm>>, %arg4: memref<32x576x64xf32, #tpu.memory_space<hbm>>, %arg5: memref<576xi32, #tpu.memory_space<vmem>>, %arg6: memref<576x64xf32, #tpu.memory_space<vmem>>, %arg7: memref<!tpu.dma_semaphore, #tpu.memory_space<semaphore_mem>>) attributes {dimension_semantics = [#tpu.dimension_semantics<core_parallel>, #tpu.dimension_semantics<subcore_parallel>], iteration_bounds = array<i64: 2, 16>, scalar_prefetch = 0 : i64, scratch_operands = 3 : i64, tpu.core_type = #tpu.core_type<sc_vector_subcore>, window_params = [{transform_indices = #map}, {transform_indices = #map1}, {transform_indices = #map1}]} {
    %mul3A = arith.constant 2 : i32
    %mul3A_0 = arith.muli %arg1, %mul3A : i32
    %add3A = arith.addi %mul3A_0, %arg0 : i32
    %run_scoped3A = arith.constant 0 : i32
    "tpu.region"() ({
      %run_scoped3A_79 = tpu.sem_alloc : memref<!tpu.dma_semaphore, #tpu.memory_space<semaphore_mem>>
      %dma_start3A_80 = arith.constant 0 : i32
      %dma_start3A_81 = tpu.memref_slice %arg3[%add3A, %run_scoped3A, %dma_start3A_80] : memref<32x1x640xi32, #tpu.memory_space<hbm>> -> memref<1x1x576xi32, #tpu.memory_space<hbm>>
      %dma_start3A_82 = tpu.memref_squeeze %dma_start3A_81 : memref<1x1x576xi32, #tpu.memory_space<hbm>> -> memref<576xi32, #tpu.memory_space<hbm>>
      %dma_start3A_83 = arith.constant 0 : i32
      %dma_start3A_84 = tpu.memref_slice %arg3[%add3A, %run_scoped3A, %dma_start3A_83] : memref<32x1x640xi32, #tpu.memory_space<hbm>> -> memref<1x1x576xi32, #tpu.memory_space<hbm>>
      %dma_start3A_85 = tpu.memref_squeeze %dma_start3A_84 : memref<1x1x576xi32, #tpu.memory_space<hbm>> -> memref<576xi32, #tpu.memory_space<hbm>>
      tpu.enqueue_dma source(%dma_start3A_85 : memref<576xi32, #tpu.memory_space<hbm>>) target(%arg5 : memref<576xi32, #tpu.memory_space<vmem>>) target_semaphore(%run_scoped3A_79 : memref<!tpu.dma_semaphore, #tpu.memory_space<semaphore_mem>>)
      %dma_wait3A_86 = arith.constant 0 : i32
      %dma_wait3A_87 = tpu.memref_slice %arg3[%add3A, %run_scoped3A, %dma_wait3A_86] : memref<32x1x640xi32, #tpu.memory_space<hbm>> -> memref<1x1x576xi32, #tpu.memory_space<hbm>>
      %dma_wait3A_88 = tpu.memref_squeeze %dma_wait3A_87 : memref<1x1x576xi32, #tpu.memory_space<hbm>> -> memref<576xi32, #tpu.memory_space<hbm>>
      %dma_wait3A_89 = arith.constant 0 : i32
      %dma_wait3A_90 = tpu.memref_slice %arg3[%add3A, %run_scoped3A, %dma_wait3A_89] : memref<32x1x640xi32, #tpu.memory_space<hbm>> -> memref<1x1x576xi32, #tpu.memory_space<hbm>>
      %dma_wait3A_91 = tpu.memref_squeeze %dma_wait3A_90 : memref<1x1x576xi32, #tpu.memory_space<hbm>> -> memref<576xi32, #tpu.memory_space<hbm>>
      tpu.wait_dma2 semaphore(%run_scoped3A_79 : memref<!tpu.dma_semaphore, #tpu.memory_space<semaphore_mem>>) src(%dma_wait3A_91 : memref<576xi32, #tpu.memory_space<hbm>>) dst(%arg5 : memref<576xi32, #tpu.memory_space<vmem>>)
      tpu.yield
    }) : () -> ()
    %dma_start3A = arith.constant 0 : i32
    %dma_start3A_1 = arith.constant 0 : i32
    %dma_start3A_2 = tpu.memref_slice %arg6[%dma_start3A, %dma_start3A_1] : memref<576x64xf32, #tpu.memory_space<vmem>> -> memref<128x64xf32, #tpu.memory_space<vmem>>
    %dma_start3A_3 = arith.constant 0 : i32
    %dma_start3A_4 = tpu.memref_slice %arg5[%dma_start3A_3] : memref<576xi32, #tpu.memory_space<vmem>> -> memref<128xi32, #tpu.memory_space<vmem>>
    %dma_start3A_5 = arith.constant 0 : i32
    %dma_start3A_6 = arith.constant 0 : i32
    %dma_start3A_7 = tpu.memref_slice %arg2[%dma_start3A_5, %dma_start3A_6] : memref<1024x64xf32, #tpu.memory_space<hbm>> -> memref<1024x64xf32, #tpu.memory_space<hbm>>
    tpu.enqueue_indirect_dma source(%dma_start3A_7 : memref<1024x64xf32, #tpu.memory_space<hbm>>) target(%dma_start3A_2 : memref<128x64xf32, #tpu.memory_space<vmem>>) offsets(%dma_start3A_4 : memref<128xi32, #tpu.memory_space<vmem>>) semaphore(%arg7 : memref<!tpu.dma_semaphore, #tpu.memory_space<semaphore_mem>>)
    %dma_start3A_8 = arith.constant 128 : i32
    %dma_start3A_9 = arith.constant 0 : i32
    %dma_start3A_10 = tpu.memref_slice %arg6[%dma_start3A_8, %dma_start3A_9] : memref<576x64xf32, #tpu.memory_space<vmem>> -> memref<128x64xf32, #tpu.memory_space<vmem>>
    %dma_start3A_11 = arith.constant 128 : i32
    %dma_start3A_12 = tpu.memref_slice %arg5[%dma_start3A_11] : memref<576xi32, #tpu.memory_space<vmem>> -> memref<128xi32, #tpu.memory_space<vmem>>
    %dma_start3A_13 = arith.constant 0 : i32
    %dma_start3A_14 = arith.constant 0 : i32
    %dma_start3A_15 = tpu.memref_slice %arg2[%dma_start3A_13, %dma_start3A_14] : memref<1024x64xf32, #tpu.memory_space<hbm>> -> memref<1024x64xf32, #tpu.memory_space<hbm>>
    tpu.enqueue_indirect_dma source(%dma_start3A_15 : memref<1024x64xf32, #tpu.memory_space<hbm>>) target(%dma_start3A_10 : memref<128x64xf32, #tpu.memory_space<vmem>>) offsets(%dma_start3A_12 : memref<128xi32, #tpu.memory_space<vmem>>) semaphore(%arg7 : memref<!tpu.dma_semaphore, #tpu.memory_space<semaphore_mem>>)
    %dma_start3A_16 = arith.constant 256 : i32
    %dma_start3A_17 = arith.constant 0 : i32
    %dma_start3A_18 = tpu.memref_slice %arg6[%dma_start3A_16, %dma_start3A_17] : memref<576x64xf32, #tpu.memory_space<vmem>> -> memref<128x64xf32, #tpu.memory_space<vmem>>
    %dma_start3A_19 = arith.constant 256 : i32
    %dma_start3A_20 = tpu.memref_slice %arg5[%dma_start3A_19] : memref<576xi32, #tpu.memory_space<vmem>> -> memref<128xi32, #tpu.memory_space<vmem>>
    %dma_start3A_21 = arith.constant 0 : i32
    %dma_start3A_22 = arith.constant 0 : i32
    %dma_start3A_23 = tpu.memref_slice %arg2[%dma_start3A_21, %dma_start3A_22] : memref<1024x64xf32, #tpu.memory_space<hbm>> -> memref<1024x64xf32, #tpu.memory_space<hbm>>
    tpu.enqueue_indirect_dma source(%dma_start3A_23 : memref<1024x64xf32, #tpu.memory_space<hbm>>) target(%dma_start3A_18 : memref<128x64xf32, #tpu.memory_space<vmem>>) offsets(%dma_start3A_20 : memref<128xi32, #tpu.memory_space<vmem>>) semaphore(%arg7 : memref<!tpu.dma_semaphore, #tpu.memory_space<semaphore_mem>>)
    %dma_start3A_24 = arith.constant 384 : i32
    %dma_start3A_25 = arith.constant 0 : i32
    %dma_start3A_26 = tpu.memref_slice %arg6[%dma_start3A_24, %dma_start3A_25] : memref<576x64xf32, #tpu.memory_space<vmem>> -> memref<128x64xf32, #tpu.memory_space<vmem>>
    %dma_start3A_27 = arith.constant 384 : i32
    %dma_start3A_28 = tpu.memref_slice %arg5[%dma_start3A_27] : memref<576xi32, #tpu.memory_space<vmem>> -> memref<128xi32, #tpu.memory_space<vmem>>
    %dma_start3A_29 = arith.constant 0 : i32
    %dma_start3A_30 = arith.constant 0 : i32
    %dma_start3A_31 = tpu.memref_slice %arg2[%dma_start3A_29, %dma_start3A_30] : memref<1024x64xf32, #tpu.memory_space<hbm>> -> memref<1024x64xf32, #tpu.memory_space<hbm>>
    tpu.enqueue_indirect_dma source(%dma_start3A_31 : memref<1024x64xf32, #tpu.memory_space<hbm>>) target(%dma_start3A_26 : memref<128x64xf32, #tpu.memory_space<vmem>>) offsets(%dma_start3A_28 : memref<128xi32, #tpu.memory_space<vmem>>) semaphore(%arg7 : memref<!tpu.dma_semaphore, #tpu.memory_space<semaphore_mem>>)
    %dma_start3A_32 = arith.constant 512 : i32
    %dma_start3A_33 = arith.constant 0 : i32
    %dma_start3A_34 = tpu.memref_slice %arg6[%dma_start3A_32, %dma_start3A_33] : memref<576x64xf32, #tpu.memory_space<vmem>> -> memref<64x64xf32, #tpu.memory_space<vmem>>
    %dma_start3A_35 = arith.constant 512 : i32
    %dma_start3A_36 = tpu.memref_slice %arg5[%dma_start3A_35] : memref<576xi32, #tpu.memory_space<vmem>> -> memref<64xi32, #tpu.memory_space<vmem>>
    %dma_start3A_37 = arith.constant 0 : i32
    %dma_start3A_38 = arith.constant 0 : i32
    %dma_start3A_39 = tpu.memref_slice %arg2[%dma_start3A_37, %dma_start3A_38] : memref<1024x64xf32, #tpu.memory_space<hbm>> -> memref<1024x64xf32, #tpu.memory_space<hbm>>
    tpu.enqueue_indirect_dma source(%dma_start3A_39 : memref<1024x64xf32, #tpu.memory_space<hbm>>) target(%dma_start3A_34 : memref<64x64xf32, #tpu.memory_space<vmem>>) offsets(%dma_start3A_36 : memref<64xi32, #tpu.memory_space<vmem>>) semaphore(%arg7 : memref<!tpu.dma_semaphore, #tpu.memory_space<semaphore_mem>>)
    %dma_wait3A = arith.constant 0 : i32
    %dma_wait3A_40 = arith.constant 0 : i32
    %dma_wait3A_41 = tpu.memref_slice %arg6[%dma_wait3A, %dma_wait3A_40] : memref<576x64xf32, #tpu.memory_space<vmem>> -> memref<128x64xf32, #tpu.memory_space<vmem>>
    %dma_wait3A_42 = arith.constant 0 : i32
    %dma_wait3A_43 = tpu.memref_slice %arg5[%dma_wait3A_42] : memref<576xi32, #tpu.memory_space<vmem>> -> memref<128xi32, #tpu.memory_space<vmem>>
    %dma_wait3A_44 = arith.constant 0 : i32
    %dma_wait3A_45 = arith.constant 0 : i32
    %dma_wait3A_46 = tpu.memref_slice %arg2[%dma_wait3A_44, %dma_wait3A_45] : memref<1024x64xf32, #tpu.memory_space<hbm>> -> memref<1024x64xf32, #tpu.memory_space<hbm>>
    tpu.wait_indirect_dma semaphore(%arg7 : memref<!tpu.dma_semaphore, #tpu.memory_space<semaphore_mem>>) src(%dma_wait3A_46 : memref<1024x64xf32, #tpu.memory_space<hbm>>) dst(%dma_wait3A_41 : memref<128x64xf32, #tpu.memory_space<vmem>>)
    %dma_wait3A_47 = arith.constant 128 : i32
    %dma_wait3A_48 = arith.constant 0 : i32
    %dma_wait3A_49 = tpu.memref_slice %arg6[%dma_wait3A_47, %dma_wait3A_48] : memref<576x64xf32, #tpu.memory_space<vmem>> -> memref<128x64xf32, #tpu.memory_space<vmem>>
    %dma_wait3A_50 = arith.constant 128 : i32
    %dma_wait3A_51 = tpu.memref_slice %arg5[%dma_wait3A_50] : memref<576xi32, #tpu.memory_space<vmem>> -> memref<128xi32, #tpu.memory_space<vmem>>
    %dma_wait3A_52 = arith.constant 0 : i32
    %dma_wait3A_53 = arith.constant 0 : i32
    %dma_wait3A_54 = tpu.memref_slice %arg2[%dma_wait3A_52, %dma_wait3A_53] : memref<1024x64xf32, #tpu.memory_space<hbm>> -> memref<1024x64xf32, #tpu.memory_space<hbm>>
    tpu.wait_indirect_dma semaphore(%arg7 : memref<!tpu.dma_semaphore, #tpu.memory_space<semaphore_mem>>) src(%dma_wait3A_54 : memref<1024x64xf32, #tpu.memory_space<hbm>>) dst(%dma_wait3A_49 : memref<128x64xf32, #tpu.memory_space<vmem>>)
    %dma_wait3A_55 = arith.constant 256 : i32
    %dma_wait3A_56 = arith.constant 0 : i32
    %dma_wait3A_57 = tpu.memref_slice %arg6[%dma_wait3A_55, %dma_wait3A_56] : memref<576x64xf32, #tpu.memory_space<vmem>> -> memref<128x64xf32, #tpu.memory_space<vmem>>
    %dma_wait3A_58 = arith.constant 256 : i32
    %dma_wait3A_59 = tpu.memref_slice %arg5[%dma_wait3A_58] : memref<576xi32, #tpu.memory_space<vmem>> -> memref<128xi32, #tpu.memory_space<vmem>>
    %dma_wait3A_60 = arith.constant 0 : i32
    %dma_wait3A_61 = arith.constant 0 : i32
    %dma_wait3A_62 = tpu.memref_slice %arg2[%dma_wait3A_60, %dma_wait3A_61] : memref<1024x64xf32, #tpu.memory_space<hbm>> -> memref<1024x64xf32, #tpu.memory_space<hbm>>
    tpu.wait_indirect_dma semaphore(%arg7 : memref<!tpu.dma_semaphore, #tpu.memory_space<semaphore_mem>>) src(%dma_wait3A_62 : memref<1024x64xf32, #tpu.memory_space<hbm>>) dst(%dma_wait3A_57 : memref<128x64xf32, #tpu.memory_space<vmem>>)
    %dma_wait3A_63 = arith.constant 384 : i32
    %dma_wait3A_64 = arith.constant 0 : i32
    %dma_wait3A_65 = tpu.memref_slice %arg6[%dma_wait3A_63, %dma_wait3A_64] : memref<576x64xf32, #tpu.memory_space<vmem>> -> memref<128x64xf32, #tpu.memory_space<vmem>>
    %dma_wait3A_66 = arith.constant 384 : i32
    %dma_wait3A_67 = tpu.memref_slice %arg5[%dma_wait3A_66] : memref<576xi32, #tpu.memory_space<vmem>> -> memref<128xi32, #tpu.memory_space<vmem>>
    %dma_wait3A_68 = arith.constant 0 : i32
    %dma_wait3A_69 = arith.constant 0 : i32
    %dma_wait3A_70 = tpu.memref_slice %arg2[%dma_wait3A_68, %dma_wait3A_69] : memref<1024x64xf32, #tpu.memory_space<hbm>> -> memref<1024x64xf32, #tpu.memory_space<hbm>>
    tpu.wait_indirect_dma semaphore(%arg7 : memref<!tpu.dma_semaphore, #tpu.memory_space<semaphore_mem>>) src(%dma_wait3A_70 : memref<1024x64xf32, #tpu.memory_space<hbm>>) dst(%dma_wait3A_65 : memref<128x64xf32, #tpu.memory_space<vmem>>)
    %dma_wait3A_71 = arith.constant 512 : i32
    %dma_wait3A_72 = arith.constant 0 : i32
    %dma_wait3A_73 = tpu.memref_slice %arg6[%dma_wait3A_71, %dma_wait3A_72] : memref<576x64xf32, #tpu.memory_space<vmem>> -> memref<64x64xf32, #tpu.memory_space<vmem>>
    %dma_wait3A_74 = arith.constant 512 : i32
    %dma_wait3A_75 = tpu.memref_slice %arg5[%dma_wait3A_74] : memref<576xi32, #tpu.memory_space<vmem>> -> memref<64xi32, #tpu.memory_space<vmem>>
    %dma_wait3A_76 = arith.constant 0 : i32
    %dma_wait3A_77 = arith.constant 0 : i32
    %dma_wait3A_78 = tpu.memref_slice %arg2[%dma_wait3A_76, %dma_wait3A_77] : memref<1024x64xf32, #tpu.memory_space<hbm>> -> memref<1024x64xf32, #tpu.memory_space<hbm>>
    tpu.wait_indirect_dma semaphore(%arg7 : memref<!tpu.dma_semaphore, #tpu.memory_space<semaphore_mem>>) src(%dma_wait3A_78 : memref<1024x64xf32, #tpu.memory_space<hbm>>) dst(%dma_wait3A_73 : memref<64x64xf32, #tpu.memory_space<vmem>>)
    "tpu.region"() ({
      %run_scoped3A_79 = tpu.sem_alloc : memref<!tpu.dma_semaphore, #tpu.memory_space<semaphore_mem>>
      %dma_start3A_80 = arith.constant 0 : i32
      %dma_start3A_81 = arith.constant 0 : i32
      %dma_start3A_82 = tpu.memref_slice %arg4[%add3A, %dma_start3A_80, %dma_start3A_81] : memref<32x576x64xf32, #tpu.memory_space<hbm>> -> memref<1x576x64xf32, #tpu.memory_space<hbm>>
      %dma_start3A_83 = tpu.memref_squeeze %dma_start3A_82 : memref<1x576x64xf32, #tpu.memory_space<hbm>> -> memref<576x64xf32, #tpu.memory_space<hbm>>
      %dma_start3A_84 = arith.constant 0 : i32
      %dma_start3A_85 = arith.constant 0 : i32
      %dma_start3A_86 = tpu.memref_slice %arg4[%add3A, %dma_start3A_84, %dma_start3A_85] : memref<32x576x64xf32, #tpu.memory_space<hbm>> -> memref<1x576x64xf32, #tpu.memory_space<hbm>>
      %dma_start3A_87 = tpu.memref_squeeze %dma_start3A_86 : memref<1x576x64xf32, #tpu.memory_space<hbm>> -> memref<576x64xf32, #tpu.memory_space<hbm>>
      tpu.enqueue_dma source(%arg6 : memref<576x64xf32, #tpu.memory_space<vmem>>) target(%dma_start3A_87 : memref<576x64xf32, #tpu.memory_space<hbm>>) target_semaphore(%run_scoped3A_79 : memref<!tpu.dma_semaphore, #tpu.memory_space<semaphore_mem>>)
      %dma_wait3A_88 = arith.constant 0 : i32
      %dma_wait3A_89 = arith.constant 0 : i32
      %dma_wait3A_90 = tpu.memref_slice %arg4[%add3A, %dma_wait3A_88, %dma_wait3A_89] : memref<32x576x64xf32, #tpu.memory_space<hbm>> -> memref<1x576x64xf32, #tpu.memory_space<hbm>>
      %dma_wait3A_91 = tpu.memref_squeeze %dma_wait3A_90 : memref<1x576x64xf32, #tpu.memory_space<hbm>> -> memref<576x64xf32, #tpu.memory_space<hbm>>
      %dma_wait3A_92 = arith.constant 0 : i32
      %dma_wait3A_93 = arith.constant 0 : i32
      %dma_wait3A_94 = tpu.memref_slice %arg4[%add3A, %dma_wait3A_92, %dma_wait3A_93] : memref<32x576x64xf32, #tpu.memory_space<hbm>> -> memref<1x576x64xf32, #tpu.memory_space<hbm>>
      %dma_wait3A_95 = tpu.memref_squeeze %dma_wait3A_94 : memref<1x576x64xf32, #tpu.memory_space<hbm>> -> memref<576x64xf32, #tpu.memory_space<hbm>>
      tpu.wait_dma2 semaphore(%run_scoped3A_79 : memref<!tpu.dma_semaphore, #tpu.memory_space<semaphore_mem>>) src(%arg6 : memref<576x64xf32, #tpu.memory_space<vmem>>) dst(%dma_wait3A_95 : memref<576x64xf32, #tpu.memory_space<hbm>>)
      tpu.yield
    }) : () -> ()
    return
  }
}

module attributes {stable_mosaic.version = 14 : i64} {
  func.func @_tc_body(%arg0: i32, %arg1: memref<16x64x576xf32, #tpu.memory_space<vmem>>, %arg2: memref<64x1024xf32, #tpu.memory_space<vmem>>, %arg3: memref<16x1x640xi32, #tpu.memory_space<vmem>>, %arg4: memref<1x1xf32, #tpu.memory_space<smem>>, %arg5: memref<1x1xf32, #tpu.memory_space<smem>>, %arg6: memref<1024x576xf32, #tpu.memory_space<vmem>>, %arg7: memref<1024x1xf32, #tpu.memory_space<vmem>>, %arg8: memref<1x576xf32, #tpu.memory_space<vmem>>) attributes {dimension_semantics = [#tpu.dimension_semantics<arbitrary>], iteration_bounds = array<i64: 2>, scalar_prefetch = 0 : i64, scratch_operands = 3 : i64, tpu.core_type = #tpu.core_type<tc>, window_params = [{transform_indices = @transform_0, window_bounds = array<i64: 16, 64, 576>}, {pipeline_mode = #tpu.pipeline_mode<synchronous>, transform_indices = @transform_1, window_bounds = array<i64: 64, 1024>}, {transform_indices = @transform_2, window_bounds = array<i64: 16, 1, 640>}, {transform_indices = @transform_3, window_bounds = array<i64: 1, 1>}, {transform_indices = @transform_4, window_bounds = array<i64: 1, 1>}]} {
    %get3A = arith.constant 0 : index
    %get3A_0 = arith.constant 0 : index
    %get3A_1 = vector.load %arg2[%get3A, %get3A_0] : memref<64x1024xf32, #tpu.memory_space<vmem>>, vector<64x1024xf32>
    %eq3A = arith.constant 0 : i32
    %eq3A_2 = arith.cmpi eq, %arg0, %eq3A : i32
    %convert_element_type3A = arith.extui %eq3A_2 : i1 to i32
    %cond3A = arith.constant 0 : i32
    %cond3A_3 = arith.cmpi ne, %convert_element_type3A, %cond3A : i32
    scf.if %cond3A_3 {
      %broadcast_in_dim3A_961 = arith.constant 0.000000e+00 : f32
      %broadcast_in_dim3A_962 = vector.broadcast %broadcast_in_dim3A_961 : f32 to vector<1024x576xf32>
      %swap3A_963 = arith.constant 0 : index
      %swap3A_964 = arith.constant 0 : index
      %swap3A_965 = vector.load %arg6[%swap3A_963, %swap3A_964] : memref<1024x576xf32, #tpu.memory_space<vmem>>, vector<1024x576xf32>
      tpu.vector_store %arg6[%swap3A_963, %swap3A_964], %broadcast_in_dim3A_962 {strides = array<i32>} : memref<1024x576xf32, #tpu.memory_space<vmem>>, vector<1024x576xf32>,
      %broadcast_in_dim3A_966 = arith.constant 0.000000e+00 : f32
      %broadcast_in_dim3A_967 = vector.broadcast %broadcast_in_dim3A_966 : f32 to vector<1x576xf32>
      %swap3A_968 = arith.constant 0 : index
      %swap3A_969 = arith.constant 0 : index
      %swap3A_970 = vector.load %arg8[%swap3A_968, %swap3A_969] : memref<1x576xf32, #tpu.memory_space<vmem>>, vector<1x576xf32>
      tpu.vector_store %arg8[%swap3A_968, %swap3A_969], %broadcast_in_dim3A_967 {strides = array<i32>} : memref<1x576xf32, #tpu.memory_space<vmem>>, vector<1x576xf32>,
      %mul3A_971 = arith.mulf %get3A_1, %get3A_1 : vector<64x1024xf32>
      %reduce_sum3A_972 = arith.constant dense<0.000000e+00> : vector<1024xf32>
      %reduce_sum3A_973 = vector.multi_reduction <add>, %mul3A_971, %reduce_sum3A_972 [0] : vector<64x1024xf32> to vector<1024xf32>
      %broadcast_in_dim3A_974 = vector.shape_cast %reduce_sum3A_973 : vector<1024xf32> to vector<1x1024xf32>
      %reshape3A_975 = vector.shape_cast %broadcast_in_dim3A_974 : vector<1x1024xf32> to vector<1024x1xf32>
      %swap3A_976 = arith.constant 0 : index
      %swap3A_977 = arith.constant 0 : index
      %swap3A_978 = vector.load %arg7[%swap3A_976, %swap3A_977] : memref<1024x1xf32, #tpu.memory_space<vmem>>, vector<1024x1xf32>
      tpu.vector_store %arg7[%swap3A_976, %swap3A_977], %reshape3A_975 {strides = array<i32>} : memref<1024x1xf32, #tpu.memory_space<vmem>>, vector<1024x1xf32>,
    } else {
    }
    %get3A_4 = arith.constant 0 : index
    %get3A_5 = arith.constant 0 : index
    %get3A_6 = vector.load %arg7[%get3A_4, %get3A_5] : memref<1024x1xf32, #tpu.memory_space<vmem>>, vector<1024x1xf32>
    %get3A_7 = arith.constant 0 : index
    %get3A_8 = arith.constant 0 : index
    %get3A_9 = arith.constant 0 : index
    %get3A_10 = vector.load %arg1[%get3A_7, %get3A_8, %get3A_9] : memref<16x64x576xf32, #tpu.memory_space<vmem>>, vector<1x64x576xf32>
    %get3A_11 = vector.shape_cast %get3A_10 : vector<1x64x576xf32> to vector<64x576xf32>
    %mul3A = arith.constant -2.000000e+00 : f32
    %mul3A_12 = vector.broadcast %mul3A : f32 to vector<64x576xf32>
    %mul3A_13 = arith.mulf %get3A_11, %mul3A_12 : vector<64x576xf32>
    %dot_general3A = arith.constant dense<0.000000e+00> : vector<1024x576xf32>
    %dot_general3A_14 = tpu.matmul %get3A_1, %mul3A_13, %dot_general3A {dimension_numbers = #tpu.dot_dimension_numbers<[0], [0], [1], [1], [0, 1, 1, 1], [], []>, transpose_lhs_hint = false} : vector<64x1024xf32>, vector<64x576xf32>, vector<1024x576xf32> -> vector<1024x576xf32>
    %mul3A_15 = arith.mulf %get3A_11, %get3A_11 : vector<64x576xf32>
    %reduce_sum3A = arith.constant dense<0.000000e+00> : vector<576xf32>
    %reduce_sum3A_16 = vector.multi_reduction <add>, %mul3A_15, %reduce_sum3A [0] : vector<64x576xf32> to vector<576xf32>
    %broadcast_in_dim3A = vector.shape_cast %reduce_sum3A_16 : vector<576xf32> to vector<1x576xf32>
    %add3A = vector.broadcast %broadcast_in_dim3A : vector<1x576xf32> to vector<1024x576xf32>
    %add3A_17 = arith.addf %add3A, %dot_general3A_14 : vector<1024x576xf32>
    %add3A_18 = vector.broadcast %get3A_6 : vector<1024x1xf32> to vector<1024x576xf32>
    %add3A_19 = arith.addf %add3A_17, %add3A_18 : vector<1024x576xf32>
    %reduce_min3A = arith.constant dense<0x7F800000> : vector<576xf32>
    %reduce_min3A_20 = vector.multi_reduction <minimumf>, %add3A_19, %reduce_min3A [0] : vector<1024x576xf32> to vector<576xf32>
    %broadcast_in_dim3A_21 = vector.shape_cast %reduce_min3A_20 : vector<576xf32> to vector<1x576xf32>
    %iota3A = tpu.iota {dimensions = array<i32: 0>} : vector<1024x576xi32>
    %convert_element_type3A_22 = arith.sitofp %iota3A : vector<1024x576xi32> to vector<1024x576xf32>
    %eq3A_23 = vector.broadcast %broadcast_in_dim3A_21 : vector<1x576xf32> to vector<1024x576xf32>
    %eq3A_24 = arith.cmpf oeq, %add3A_19, %eq3A_23 : vector<1024x576xf32>
    %jit3A = arith.constant 1.024000e+03 : f32
    %broadcast_in_dim3A_25 = vector.broadcast %jit3A : f32 to vector<1024x576xf32>
    %select_n3A = arith.select %eq3A_24, %convert_element_type3A_22, %broadcast_in_dim3A_25 : vector<1024x576xi1>, vector<1024x576xf32>
    %reduce_min3A_26 = arith.constant dense<0x7F800000> : vector<576xf32>
    %reduce_min3A_27 = vector.multi_reduction <minimumf>, %select_n3A, %reduce_min3A_26 [0] : vector<1024x576xf32> to vector<576xf32>
    %broadcast_in_dim3A_28 = vector.shape_cast %reduce_min3A_27 : vector<576xf32> to vector<1x576xf32>
    %convert_element_type3A_29 = arith.fptosi %broadcast_in_dim3A_28 : vector<1x576xf32> to vector<1x576xi32>
    %reshape3A = vector.shape_cast %convert_element_type3A_29 : vector<1x576xi32> to vector<576xi32>
    %swap3A = arith.constant 0 : index
    %swap3A_30 = arith.constant 0 : index
    %swap3A_31 = arith.constant 0 : index
    %swap3A_32 = vector.load %arg3[%swap3A, %swap3A_30, %swap3A_31] : memref<16x1x640xi32, #tpu.memory_space<vmem>>, vector<1x1x576xi32>
    %swap3A_33 = vector.shape_cast %swap3A_32 : vector<1x1x576xi32> to vector<576xi32>
    %swap3A_34 = vector.shape_cast %reshape3A : vector<576xi32> to vector<1x1x576xi32>
    tpu.vector_store %arg3[%swap3A, %swap3A_30, %swap3A_31], %swap3A_34 {strides = array<i32>} : memref<16x1x640xi32, #tpu.memory_space<vmem>>, vector<1x1x576xi32>,
    %eq3A_35 = vector.broadcast %broadcast_in_dim3A_28 : vector<1x576xf32> to vector<1024x576xf32>
    %eq3A_36 = arith.cmpf oeq, %select_n3A, %eq3A_35 : vector<1024x576xf32>
    %jit3A_37 = arith.constant 1.000000e+00 : f32
    %jit3A_38 = arith.constant 0.000000e+00 : f32
    %broadcast_in_dim3A_39 = vector.broadcast %jit3A_37 : f32 to vector<1024x576xf32>
    %broadcast_in_dim3A_40 = vector.broadcast %jit3A_38 : f32 to vector<1024x576xf32>
    %select_n3A_41 = arith.select %eq3A_36, %broadcast_in_dim3A_39, %broadcast_in_dim3A_40 : vector<1024x576xi1>, vector<1024x576xf32>
    %get3A_42 = arith.constant 0 : index
    %get3A_43 = arith.constant 0 : index
    %get3A_44 = vector.load %arg6[%get3A_42, %get3A_43] : memref<1024x576xf32, #tpu.memory_space<vmem>>, vector<1024x576xf32>
    %add3A_45 = arith.addf %get3A_44, %select_n3A_41 : vector<1024x576xf32>
    %swap3A_46 = arith.constant 0 : index
    %swap3A_47 = arith.constant 0 : index
    %swap3A_48 = vector.load %arg6[%swap3A_46, %swap3A_47] : memref<1024x576xf32, #tpu.memory_space<vmem>>, vector<1024x576xf32>
    tpu.vector_store %arg6[%swap3A_46, %swap3A_47], %add3A_45 {strides = array<i32>} : memref<1024x576xf32, #tpu.memory_space<vmem>>, vector<1024x576xf32>,
    %get3A_49 = arith.constant 0 : index
    %get3A_50 = arith.constant 0 : index
    %get3A_51 = vector.load %arg8[%get3A_49, %get3A_50] : memref<1x576xf32, #tpu.memory_space<vmem>>, vector<1x576xf32>
    %add3A_52 = arith.addf %get3A_51, %broadcast_in_dim3A_21 : vector<1x576xf32>
    %swap3A_53 = arith.constant 0 : index
    %swap3A_54 = arith.constant 0 : index
    %swap3A_55 = vector.load %arg8[%swap3A_53, %swap3A_54] : memref<1x576xf32, #tpu.memory_space<vmem>>, vector<1x576xf32>
    tpu.vector_store %arg8[%swap3A_53, %swap3A_54], %add3A_52 {strides = array<i32>} : memref<1x576xf32, #tpu.memory_space<vmem>>, vector<1x576xf32>,
    %get3A_56 = arith.constant 1 : index
    %get3A_57 = arith.constant 0 : index
    %get3A_58 = arith.constant 0 : index
    %get3A_59 = vector.load %arg1[%get3A_56, %get3A_57, %get3A_58] : memref<16x64x576xf32, #tpu.memory_space<vmem>>, vector<1x64x576xf32>
    %get3A_60 = vector.shape_cast %get3A_59 : vector<1x64x576xf32> to vector<64x576xf32>
    %mul3A_61 = arith.constant -2.000000e+00 : f32
    %mul3A_62 = vector.broadcast %mul3A_61 : f32 to vector<64x576xf32>
    %mul3A_63 = arith.mulf %get3A_60, %mul3A_62 : vector<64x576xf32>
    %dot_general3A_64 = arith.constant dense<0.000000e+00> : vector<1024x576xf32>
    %dot_general3A_65 = tpu.matmul %get3A_1, %mul3A_63, %dot_general3A_64 {dimension_numbers = #tpu.dot_dimension_numbers<[0], [0], [1], [1], [0, 1, 1, 1], [], []>, transpose_lhs_hint = false} : vector<64x1024xf32>, vector<64x576xf32>, vector<1024x576xf32> -> vector<1024x576xf32>
    %mul3A_66 = arith.mulf %get3A_60, %get3A_60 : vector<64x576xf32>
    %reduce_sum3A_67 = arith.constant dense<0.000000e+00> : vector<576xf32>
    %reduce_sum3A_68 = vector.multi_reduction <add>, %mul3A_66, %reduce_sum3A_67 [0] : vector<64x576xf32> to vector<576xf32>
    %broadcast_in_dim3A_69 = vector.shape_cast %reduce_sum3A_68 : vector<576xf32> to vector<1x576xf32>
    %add3A_70 = vector.broadcast %broadcast_in_dim3A_69 : vector<1x576xf32> to vector<1024x576xf32>
    %add3A_71 = arith.addf %add3A_70, %dot_general3A_65 : vector<1024x576xf32>
    %add3A_72 = vector.broadcast %get3A_6 : vector<1024x1xf32> to vector<1024x576xf32>
    %add3A_73 = arith.addf %add3A_71, %add3A_72 : vector<1024x576xf32>
    %reduce_min3A_74 = arith.constant dense<0x7F800000> : vector<576xf32>
    %reduce_min3A_75 = vector.multi_reduction <minimumf>, %add3A_73, %reduce_min3A_74 [0] : vector<1024x576xf32> to vector<576xf32>
    %broadcast_in_dim3A_76 = vector.shape_cast %reduce_min3A_75 : vector<576xf32> to vector<1x576xf32>
    %iota3A_77 = tpu.iota {dimensions = array<i32: 0>} : vector<1024x576xi32>
    %convert_element_type3A_78 = arith.sitofp %iota3A_77 : vector<1024x576xi32> to vector<1024x576xf32>
    %eq3A_79 = vector.broadcast %broadcast_in_dim3A_76 : vector<1x576xf32> to vector<1024x576xf32>
    %eq3A_80 = arith.cmpf oeq, %add3A_73, %eq3A_79 : vector<1024x576xf32>
    %jit3A_81 = arith.constant 1.024000e+03 : f32
    %broadcast_in_dim3A_82 = vector.broadcast %jit3A_81 : f32 to vector<1024x576xf32>
    %select_n3A_83 = arith.select %eq3A_80, %convert_element_type3A_78, %broadcast_in_dim3A_82 : vector<1024x576xi1>, vector<1024x576xf32>
    %reduce_min3A_84 = arith.constant dense<0x7F800000> : vector<576xf32>
    %reduce_min3A_85 = vector.multi_reduction <minimumf>, %select_n3A_83, %reduce_min3A_84 [0] : vector<1024x576xf32> to vector<576xf32>
    %broadcast_in_dim3A_86 = vector.shape_cast %reduce_min3A_85 : vector<576xf32> to vector<1x576xf32>
    %convert_element_type3A_87 = arith.fptosi %broadcast_in_dim3A_86 : vector<1x576xf32> to vector<1x576xi32>
    %reshape3A_88 = vector.shape_cast %convert_element_type3A_87 : vector<1x576xi32> to vector<576xi32>
    %swap3A_89 = arith.constant 1 : index
    %swap3A_90 = arith.constant 0 : index
    %swap3A_91 = arith.constant 0 : index
    %swap3A_92 = vector.load %arg3[%swap3A_89, %swap3A_90, %swap3A_91] : memref<16x1x640xi32, #tpu.memory_space<vmem>>, vector<1x1x576xi32>
    %swap3A_93 = vector.shape_cast %swap3A_92 : vector<1x1x576xi32> to vector<576xi32>
    %swap3A_94 = vector.shape_cast %reshape3A_88 : vector<576xi32> to vector<1x1x576xi32>
    tpu.vector_store %arg3[%swap3A_89, %swap3A_90, %swap3A_91], %swap3A_94 {strides = array<i32>} : memref<16x1x640xi32, #tpu.memory_space<vmem>>, vector<1x1x576xi32>,
    %eq3A_95 = vector.broadcast %broadcast_in_dim3A_86 : vector<1x576xf32> to vector<1024x576xf32>
    %eq3A_96 = arith.cmpf oeq, %select_n3A_83, %eq3A_95 : vector<1024x576xf32>
    %jit3A_97 = arith.constant 1.000000e+00 : f32
    %jit3A_98 = arith.constant 0.000000e+00 : f32
    %broadcast_in_dim3A_99 = vector.broadcast %jit3A_97 : f32 to vector<1024x576xf32>
    %broadcast_in_dim3A_100 = vector.broadcast %jit3A_98 : f32 to vector<1024x576xf32>
    %select_n3A_101 = arith.select %eq3A_96, %broadcast_in_dim3A_99, %broadcast_in_dim3A_100 : vector<1024x576xi1>, vector<1024x576xf32>
    %get3A_102 = arith.constant 0 : index
    %get3A_103 = arith.constant 0 : index
    %get3A_104 = vector.load %arg6[%get3A_102, %get3A_103] : memref<1024x576xf32, #tpu.memory_space<vmem>>, vector<1024x576xf32>
    %add3A_105 = arith.addf %get3A_104, %select_n3A_101 : vector<1024x576xf32>
    %swap3A_106 = arith.constant 0 : index
    %swap3A_107 = arith.constant 0 : index
    %swap3A_108 = vector.load %arg6[%swap3A_106, %swap3A_107] : memref<1024x576xf32, #tpu.memory_space<vmem>>, vector<1024x576xf32>
    tpu.vector_store %arg6[%swap3A_106, %swap3A_107], %add3A_105 {strides = array<i32>} : memref<1024x576xf32, #tpu.memory_space<vmem>>, vector<1024x576xf32>,
    %get3A_109 = arith.constant 0 : index
    %get3A_110 = arith.constant 0 : index
    %get3A_111 = vector.load %arg8[%get3A_109, %get3A_110] : memref<1x576xf32, #tpu.memory_space<vmem>>, vector<1x576xf32>
    %add3A_112 = arith.addf %get3A_111, %broadcast_in_dim3A_76 : vector<1x576xf32>
    %swap3A_113 = arith.constant 0 : index
    %swap3A_114 = arith.constant 0 : index
    %swap3A_115 = vector.load %arg8[%swap3A_113, %swap3A_114] : memref<1x576xf32, #tpu.memory_space<vmem>>, vector<1x576xf32>
    tpu.vector_store %arg8[%swap3A_113, %swap3A_114], %add3A_112 {strides = array<i32>} : memref<1x576xf32, #tpu.memory_space<vmem>>, vector<1x576xf32>,
    %get3A_116 = arith.constant 2 : index
    %get3A_117 = arith.constant 0 : index
    %get3A_118 = arith.constant 0 : index
    %get3A_119 = vector.load %arg1[%get3A_116, %get3A_117, %get3A_118] : memref<16x64x576xf32, #tpu.memory_space<vmem>>, vector<1x64x576xf32>
    %get3A_120 = vector.shape_cast %get3A_119 : vector<1x64x576xf32> to vector<64x576xf32>
    %mul3A_121 = arith.constant -2.000000e+00 : f32
    %mul3A_122 = vector.broadcast %mul3A_121 : f32 to vector<64x576xf32>
    %mul3A_123 = arith.mulf %get3A_120, %mul3A_122 : vector<64x576xf32>
    %dot_general3A_124 = arith.constant dense<0.000000e+00> : vector<1024x576xf32>
    %dot_general3A_125 = tpu.matmul %get3A_1, %mul3A_123, %dot_general3A_124 {dimension_numbers = #tpu.dot_dimension_numbers<[0], [0], [1], [1], [0, 1, 1, 1], [], []>, transpose_lhs_hint = false} : vector<64x1024xf32>, vector<64x576xf32>, vector<1024x576xf32> -> vector<1024x576xf32>
    %mul3A_126 = arith.mulf %get3A_120, %get3A_120 : vector<64x576xf32>
    %reduce_sum3A_127 = arith.constant dense<0.000000e+00> : vector<576xf32>
    %reduce_sum3A_128 = vector.multi_reduction <add>, %mul3A_126, %reduce_sum3A_127 [0] : vector<64x576xf32> to vector<576xf32>
    %broadcast_in_dim3A_129 = vector.shape_cast %reduce_sum3A_128 : vector<576xf32> to vector<1x576xf32>
    %add3A_130 = vector.broadcast %broadcast_in_dim3A_129 : vector<1x576xf32> to vector<1024x576xf32>
    %add3A_131 = arith.addf %add3A_130, %dot_general3A_125 : vector<1024x576xf32>
    %add3A_132 = vector.broadcast %get3A_6 : vector<1024x1xf32> to vector<1024x576xf32>
    %add3A_133 = arith.addf %add3A_131, %add3A_132 : vector<1024x576xf32>
    %reduce_min3A_134 = arith.constant dense<0x7F800000> : vector<576xf32>
    %reduce_min3A_135 = vector.multi_reduction <minimumf>, %add3A_133, %reduce_min3A_134 [0] : vector<1024x576xf32> to vector<576xf32>
    %broadcast_in_dim3A_136 = vector.shape_cast %reduce_min3A_135 : vector<576xf32> to vector<1x576xf32>
    %iota3A_137 = tpu.iota {dimensions = array<i32: 0>} : vector<1024x576xi32>
    %convert_element_type3A_138 = arith.sitofp %iota3A_137 : vector<1024x576xi32> to vector<1024x576xf32>
    %eq3A_139 = vector.broadcast %broadcast_in_dim3A_136 : vector<1x576xf32> to vector<1024x576xf32>
    %eq3A_140 = arith.cmpf oeq, %add3A_133, %eq3A_139 : vector<1024x576xf32>
    %jit3A_141 = arith.constant 1.024000e+03 : f32
    %broadcast_in_dim3A_142 = vector.broadcast %jit3A_141 : f32 to vector<1024x576xf32>
    %select_n3A_143 = arith.select %eq3A_140, %convert_element_type3A_138, %broadcast_in_dim3A_142 : vector<1024x576xi1>, vector<1024x576xf32>
    %reduce_min3A_144 = arith.constant dense<0x7F800000> : vector<576xf32>
    %reduce_min3A_145 = vector.multi_reduction <minimumf>, %select_n3A_143, %reduce_min3A_144 [0] : vector<1024x576xf32> to vector<576xf32>
    %broadcast_in_dim3A_146 = vector.shape_cast %reduce_min3A_145 : vector<576xf32> to vector<1x576xf32>
    %convert_element_type3A_147 = arith.fptosi %broadcast_in_dim3A_146 : vector<1x576xf32> to vector<1x576xi32>
    %reshape3A_148 = vector.shape_cast %convert_element_type3A_147 : vector<1x576xi32> to vector<576xi32>
    %swap3A_149 = arith.constant 2 : index
    %swap3A_150 = arith.constant 0 : index
    %swap3A_151 = arith.constant 0 : index
    %swap3A_152 = vector.load %arg3[%swap3A_149, %swap3A_150, %swap3A_151] : memref<16x1x640xi32, #tpu.memory_space<vmem>>, vector<1x1x576xi32>
    %swap3A_153 = vector.shape_cast %swap3A_152 : vector<1x1x576xi32> to vector<576xi32>
    %swap3A_154 = vector.shape_cast %reshape3A_148 : vector<576xi32> to vector<1x1x576xi32>
    tpu.vector_store %arg3[%swap3A_149, %swap3A_150, %swap3A_151], %swap3A_154 {strides = array<i32>} : memref<16x1x640xi32, #tpu.memory_space<vmem>>, vector<1x1x576xi32>,
    %eq3A_155 = vector.broadcast %broadcast_in_dim3A_146 : vector<1x576xf32> to vector<1024x576xf32>
    %eq3A_156 = arith.cmpf oeq, %select_n3A_143, %eq3A_155 : vector<1024x576xf32>
    %jit3A_157 = arith.constant 1.000000e+00 : f32
    %jit3A_158 = arith.constant 0.000000e+00 : f32
    %broadcast_in_dim3A_159 = vector.broadcast %jit3A_157 : f32 to vector<1024x576xf32>
    %broadcast_in_dim3A_160 = vector.broadcast %jit3A_158 : f32 to vector<1024x576xf32>
    %select_n3A_161 = arith.select %eq3A_156, %broadcast_in_dim3A_159, %broadcast_in_dim3A_160 : vector<1024x576xi1>, vector<1024x576xf32>
    %get3A_162 = arith.constant 0 : index
    %get3A_163 = arith.constant 0 : index
    %get3A_164 = vector.load %arg6[%get3A_162, %get3A_163] : memref<1024x576xf32, #tpu.memory_space<vmem>>, vector<1024x576xf32>
    %add3A_165 = arith.addf %get3A_164, %select_n3A_161 : vector<1024x576xf32>
    %swap3A_166 = arith.constant 0 : index
    %swap3A_167 = arith.constant 0 : index
    %swap3A_168 = vector.load %arg6[%swap3A_166, %swap3A_167] : memref<1024x576xf32, #tpu.memory_space<vmem>>, vector<1024x576xf32>
    tpu.vector_store %arg6[%swap3A_166, %swap3A_167], %add3A_165 {strides = array<i32>} : memref<1024x576xf32, #tpu.memory_space<vmem>>, vector<1024x576xf32>,
    %get3A_169 = arith.constant 0 : index
    %get3A_170 = arith.constant 0 : index
    %get3A_171 = vector.load %arg8[%get3A_169, %get3A_170] : memref<1x576xf32, #tpu.memory_space<vmem>>, vector<1x576xf32>
    %add3A_172 = arith.addf %get3A_171, %broadcast_in_dim3A_136 : vector<1x576xf32>
    %swap3A_173 = arith.constant 0 : index
    %swap3A_174 = arith.constant 0 : index
    %swap3A_175 = vector.load %arg8[%swap3A_173, %swap3A_174] : memref<1x576xf32, #tpu.memory_space<vmem>>, vector<1x576xf32>
    tpu.vector_store %arg8[%swap3A_173, %swap3A_174], %add3A_172 {strides = array<i32>} : memref<1x576xf32, #tpu.memory_space<vmem>>, vector<1x576xf32>,
    %get3A_176 = arith.constant 3 : index
    %get3A_177 = arith.constant 0 : index
    %get3A_178 = arith.constant 0 : index
    %get3A_179 = vector.load %arg1[%get3A_176, %get3A_177, %get3A_178] : memref<16x64x576xf32, #tpu.memory_space<vmem>>, vector<1x64x576xf32>
    %get3A_180 = vector.shape_cast %get3A_179 : vector<1x64x576xf32> to vector<64x576xf32>
    %mul3A_181 = arith.constant -2.000000e+00 : f32
    %mul3A_182 = vector.broadcast %mul3A_181 : f32 to vector<64x576xf32>
    %mul3A_183 = arith.mulf %get3A_180, %mul3A_182 : vector<64x576xf32>
    %dot_general3A_184 = arith.constant dense<0.000000e+00> : vector<1024x576xf32>
    %dot_general3A_185 = tpu.matmul %get3A_1, %mul3A_183, %dot_general3A_184 {dimension_numbers = #tpu.dot_dimension_numbers<[0], [0], [1], [1], [0, 1, 1, 1], [], []>, transpose_lhs_hint = false} : vector<64x1024xf32>, vector<64x576xf32>, vector<1024x576xf32> -> vector<1024x576xf32>
    %mul3A_186 = arith.mulf %get3A_180, %get3A_180 : vector<64x576xf32>
    %reduce_sum3A_187 = arith.constant dense<0.000000e+00> : vector<576xf32>
    %reduce_sum3A_188 = vector.multi_reduction <add>, %mul3A_186, %reduce_sum3A_187 [0] : vector<64x576xf32> to vector<576xf32>
    %broadcast_in_dim3A_189 = vector.shape_cast %reduce_sum3A_188 : vector<576xf32> to vector<1x576xf32>
    %add3A_190 = vector.broadcast %broadcast_in_dim3A_189 : vector<1x576xf32> to vector<1024x576xf32>
    %add3A_191 = arith.addf %add3A_190, %dot_general3A_185 : vector<1024x576xf32>
    %add3A_192 = vector.broadcast %get3A_6 : vector<1024x1xf32> to vector<1024x576xf32>
    %add3A_193 = arith.addf %add3A_191, %add3A_192 : vector<1024x576xf32>
    %reduce_min3A_194 = arith.constant dense<0x7F800000> : vector<576xf32>
    %reduce_min3A_195 = vector.multi_reduction <minimumf>, %add3A_193, %reduce_min3A_194 [0] : vector<1024x576xf32> to vector<576xf32>
    %broadcast_in_dim3A_196 = vector.shape_cast %reduce_min3A_195 : vector<576xf32> to vector<1x576xf32>
    %iota3A_197 = tpu.iota {dimensions = array<i32: 0>} : vector<1024x576xi32>
    %convert_element_type3A_198 = arith.sitofp %iota3A_197 : vector<1024x576xi32> to vector<1024x576xf32>
    %eq3A_199 = vector.broadcast %broadcast_in_dim3A_196 : vector<1x576xf32> to vector<1024x576xf32>
    %eq3A_200 = arith.cmpf oeq, %add3A_193, %eq3A_199 : vector<1024x576xf32>
    %jit3A_201 = arith.constant 1.024000e+03 : f32
    %broadcast_in_dim3A_202 = vector.broadcast %jit3A_201 : f32 to vector<1024x576xf32>
    %select_n3A_203 = arith.select %eq3A_200, %convert_element_type3A_198, %broadcast_in_dim3A_202 : vector<1024x576xi1>, vector<1024x576xf32>
    %reduce_min3A_204 = arith.constant dense<0x7F800000> : vector<576xf32>
    %reduce_min3A_205 = vector.multi_reduction <minimumf>, %select_n3A_203, %reduce_min3A_204 [0] : vector<1024x576xf32> to vector<576xf32>
    %broadcast_in_dim3A_206 = vector.shape_cast %reduce_min3A_205 : vector<576xf32> to vector<1x576xf32>
    %convert_element_type3A_207 = arith.fptosi %broadcast_in_dim3A_206 : vector<1x576xf32> to vector<1x576xi32>
    %reshape3A_208 = vector.shape_cast %convert_element_type3A_207 : vector<1x576xi32> to vector<576xi32>
    %swap3A_209 = arith.constant 3 : index
    %swap3A_210 = arith.constant 0 : index
    %swap3A_211 = arith.constant 0 : index
    %swap3A_212 = vector.load %arg3[%swap3A_209, %swap3A_210, %swap3A_211] : memref<16x1x640xi32, #tpu.memory_space<vmem>>, vector<1x1x576xi32>
    %swap3A_213 = vector.shape_cast %swap3A_212 : vector<1x1x576xi32> to vector<576xi32>
    %swap3A_214 = vector.shape_cast %reshape3A_208 : vector<576xi32> to vector<1x1x576xi32>
    tpu.vector_store %arg3[%swap3A_209, %swap3A_210, %swap3A_211], %swap3A_214 {strides = array<i32>} : memref<16x1x640xi32, #tpu.memory_space<vmem>>, vector<1x1x576xi32>,
    %eq3A_215 = vector.broadcast %broadcast_in_dim3A_206 : vector<1x576xf32> to vector<1024x576xf32>
    %eq3A_216 = arith.cmpf oeq, %select_n3A_203, %eq3A_215 : vector<1024x576xf32>
    %jit3A_217 = arith.constant 1.000000e+00 : f32
    %jit3A_218 = arith.constant 0.000000e+00 : f32
    %broadcast_in_dim3A_219 = vector.broadcast %jit3A_217 : f32 to vector<1024x576xf32>
    %broadcast_in_dim3A_220 = vector.broadcast %jit3A_218 : f32 to vector<1024x576xf32>
    %select_n3A_221 = arith.select %eq3A_216, %broadcast_in_dim3A_219, %broadcast_in_dim3A_220 : vector<1024x576xi1>, vector<1024x576xf32>
    %get3A_222 = arith.constant 0 : index
    %get3A_223 = arith.constant 0 : index
    %get3A_224 = vector.load %arg6[%get3A_222, %get3A_223] : memref<1024x576xf32, #tpu.memory_space<vmem>>, vector<1024x576xf32>
    %add3A_225 = arith.addf %get3A_224, %select_n3A_221 : vector<1024x576xf32>
    %swap3A_226 = arith.constant 0 : index
    %swap3A_227 = arith.constant 0 : index
    %swap3A_228 = vector.load %arg6[%swap3A_226, %swap3A_227] : memref<1024x576xf32, #tpu.memory_space<vmem>>, vector<1024x576xf32>
    tpu.vector_store %arg6[%swap3A_226, %swap3A_227], %add3A_225 {strides = array<i32>} : memref<1024x576xf32, #tpu.memory_space<vmem>>, vector<1024x576xf32>,
    %get3A_229 = arith.constant 0 : index
    %get3A_230 = arith.constant 0 : index
    %get3A_231 = vector.load %arg8[%get3A_229, %get3A_230] : memref<1x576xf32, #tpu.memory_space<vmem>>, vector<1x576xf32>
    %add3A_232 = arith.addf %get3A_231, %broadcast_in_dim3A_196 : vector<1x576xf32>
    %swap3A_233 = arith.constant 0 : index
    %swap3A_234 = arith.constant 0 : index
    %swap3A_235 = vector.load %arg8[%swap3A_233, %swap3A_234] : memref<1x576xf32, #tpu.memory_space<vmem>>, vector<1x576xf32>
    tpu.vector_store %arg8[%swap3A_233, %swap3A_234], %add3A_232 {strides = array<i32>} : memref<1x576xf32, #tpu.memory_space<vmem>>, vector<1x576xf32>,
    %get3A_236 = arith.constant 4 : index
    %get3A_237 = arith.constant 0 : index
    %get3A_238 = arith.constant 0 : index
    %get3A_239 = vector.load %arg1[%get3A_236, %get3A_237, %get3A_238] : memref<16x64x576xf32, #tpu.memory_space<vmem>>, vector<1x64x576xf32>
    %get3A_240 = vector.shape_cast %get3A_239 : vector<1x64x576xf32> to vector<64x576xf32>
    %mul3A_241 = arith.constant -2.000000e+00 : f32
    %mul3A_242 = vector.broadcast %mul3A_241 : f32 to vector<64x576xf32>
    %mul3A_243 = arith.mulf %get3A_240, %mul3A_242 : vector<64x576xf32>
    %dot_general3A_244 = arith.constant dense<0.000000e+00> : vector<1024x576xf32>
    %dot_general3A_245 = tpu.matmul %get3A_1, %mul3A_243, %dot_general3A_244 {dimension_numbers = #tpu.dot_dimension_numbers<[0], [0], [1], [1], [0, 1, 1, 1], [], []>, transpose_lhs_hint = false} : vector<64x1024xf32>, vector<64x576xf32>, vector<1024x576xf32> -> vector<1024x576xf32>
    %mul3A_246 = arith.mulf %get3A_240, %get3A_240 : vector<64x576xf32>
    %reduce_sum3A_247 = arith.constant dense<0.000000e+00> : vector<576xf32>
    %reduce_sum3A_248 = vector.multi_reduction <add>, %mul3A_246, %reduce_sum3A_247 [0] : vector<64x576xf32> to vector<576xf32>
    %broadcast_in_dim3A_249 = vector.shape_cast %reduce_sum3A_248 : vector<576xf32> to vector<1x576xf32>
    %add3A_250 = vector.broadcast %broadcast_in_dim3A_249 : vector<1x576xf32> to vector<1024x576xf32>
    %add3A_251 = arith.addf %add3A_250, %dot_general3A_245 : vector<1024x576xf32>
    %add3A_252 = vector.broadcast %get3A_6 : vector<1024x1xf32> to vector<1024x576xf32>
    %add3A_253 = arith.addf %add3A_251, %add3A_252 : vector<1024x576xf32>
    %reduce_min3A_254 = arith.constant dense<0x7F800000> : vector<576xf32>
    %reduce_min3A_255 = vector.multi_reduction <minimumf>, %add3A_253, %reduce_min3A_254 [0] : vector<1024x576xf32> to vector<576xf32>
    %broadcast_in_dim3A_256 = vector.shape_cast %reduce_min3A_255 : vector<576xf32> to vector<1x576xf32>
    %iota3A_257 = tpu.iota {dimensions = array<i32: 0>} : vector<1024x576xi32>
    %convert_element_type3A_258 = arith.sitofp %iota3A_257 : vector<1024x576xi32> to vector<1024x576xf32>
    %eq3A_259 = vector.broadcast %broadcast_in_dim3A_256 : vector<1x576xf32> to vector<1024x576xf32>
    %eq3A_260 = arith.cmpf oeq, %add3A_253, %eq3A_259 : vector<1024x576xf32>
    %jit3A_261 = arith.constant 1.024000e+03 : f32
    %broadcast_in_dim3A_262 = vector.broadcast %jit3A_261 : f32 to vector<1024x576xf32>
    %select_n3A_263 = arith.select %eq3A_260, %convert_element_type3A_258, %broadcast_in_dim3A_262 : vector<1024x576xi1>, vector<1024x576xf32>
    %reduce_min3A_264 = arith.constant dense<0x7F800000> : vector<576xf32>
    %reduce_min3A_265 = vector.multi_reduction <minimumf>, %select_n3A_263, %reduce_min3A_264 [0] : vector<1024x576xf32> to vector<576xf32>
    %broadcast_in_dim3A_266 = vector.shape_cast %reduce_min3A_265 : vector<576xf32> to vector<1x576xf32>
    %convert_element_type3A_267 = arith.fptosi %broadcast_in_dim3A_266 : vector<1x576xf32> to vector<1x576xi32>
    %reshape3A_268 = vector.shape_cast %convert_element_type3A_267 : vector<1x576xi32> to vector<576xi32>
    %swap3A_269 = arith.constant 4 : index
    %swap3A_270 = arith.constant 0 : index
    %swap3A_271 = arith.constant 0 : index
    %swap3A_272 = vector.load %arg3[%swap3A_269, %swap3A_270, %swap3A_271] : memref<16x1x640xi32, #tpu.memory_space<vmem>>, vector<1x1x576xi32>
    %swap3A_273 = vector.shape_cast %swap3A_272 : vector<1x1x576xi32> to vector<576xi32>
    %swap3A_274 = vector.shape_cast %reshape3A_268 : vector<576xi32> to vector<1x1x576xi32>
    tpu.vector_store %arg3[%swap3A_269, %swap3A_270, %swap3A_271], %swap3A_274 {strides = array<i32>} : memref<16x1x640xi32, #tpu.memory_space<vmem>>, vector<1x1x576xi32>,
    %eq3A_275 = vector.broadcast %broadcast_in_dim3A_266 : vector<1x576xf32> to vector<1024x576xf32>
    %eq3A_276 = arith.cmpf oeq, %select_n3A_263, %eq3A_275 : vector<1024x576xf32>
    %jit3A_277 = arith.constant 1.000000e+00 : f32
    %jit3A_278 = arith.constant 0.000000e+00 : f32
    %broadcast_in_dim3A_279 = vector.broadcast %jit3A_277 : f32 to vector<1024x576xf32>
    %broadcast_in_dim3A_280 = vector.broadcast %jit3A_278 : f32 to vector<1024x576xf32>
    %select_n3A_281 = arith.select %eq3A_276, %broadcast_in_dim3A_279, %broadcast_in_dim3A_280 : vector<1024x576xi1>, vector<1024x576xf32>
    %get3A_282 = arith.constant 0 : index
    %get3A_283 = arith.constant 0 : index
    %get3A_284 = vector.load %arg6[%get3A_282, %get3A_283] : memref<1024x576xf32, #tpu.memory_space<vmem>>, vector<1024x576xf32>
    %add3A_285 = arith.addf %get3A_284, %select_n3A_281 : vector<1024x576xf32>
    %swap3A_286 = arith.constant 0 : index
    %swap3A_287 = arith.constant 0 : index
    %swap3A_288 = vector.load %arg6[%swap3A_286, %swap3A_287] : memref<1024x576xf32, #tpu.memory_space<vmem>>, vector<1024x576xf32>
    tpu.vector_store %arg6[%swap3A_286, %swap3A_287], %add3A_285 {strides = array<i32>} : memref<1024x576xf32, #tpu.memory_space<vmem>>, vector<1024x576xf32>,
    %get3A_289 = arith.constant 0 : index
    %get3A_290 = arith.constant 0 : index
    %get3A_291 = vector.load %arg8[%get3A_289, %get3A_290] : memref<1x576xf32, #tpu.memory_space<vmem>>, vector<1x576xf32>
    %add3A_292 = arith.addf %get3A_291, %broadcast_in_dim3A_256 : vector<1x576xf32>
    %swap3A_293 = arith.constant 0 : index
    %swap3A_294 = arith.constant 0 : index
    %swap3A_295 = vector.load %arg8[%swap3A_293, %swap3A_294] : memref<1x576xf32, #tpu.memory_space<vmem>>, vector<1x576xf32>
    tpu.vector_store %arg8[%swap3A_293, %swap3A_294], %add3A_292 {strides = array<i32>} : memref<1x576xf32, #tpu.memory_space<vmem>>, vector<1x576xf32>,
    %get3A_296 = arith.constant 5 : index
    %get3A_297 = arith.constant 0 : index
    %get3A_298 = arith.constant 0 : index
    %get3A_299 = vector.load %arg1[%get3A_296, %get3A_297, %get3A_298] : memref<16x64x576xf32, #tpu.memory_space<vmem>>, vector<1x64x576xf32>
    %get3A_300 = vector.shape_cast %get3A_299 : vector<1x64x576xf32> to vector<64x576xf32>
    %mul3A_301 = arith.constant -2.000000e+00 : f32
    %mul3A_302 = vector.broadcast %mul3A_301 : f32 to vector<64x576xf32>
    %mul3A_303 = arith.mulf %get3A_300, %mul3A_302 : vector<64x576xf32>
    %dot_general3A_304 = arith.constant dense<0.000000e+00> : vector<1024x576xf32>
    %dot_general3A_305 = tpu.matmul %get3A_1, %mul3A_303, %dot_general3A_304 {dimension_numbers = #tpu.dot_dimension_numbers<[0], [0], [1], [1], [0, 1, 1, 1], [], []>, transpose_lhs_hint = false} : vector<64x1024xf32>, vector<64x576xf32>, vector<1024x576xf32> -> vector<1024x576xf32>
    %mul3A_306 = arith.mulf %get3A_300, %get3A_300 : vector<64x576xf32>
    %reduce_sum3A_307 = arith.constant dense<0.000000e+00> : vector<576xf32>
    %reduce_sum3A_308 = vector.multi_reduction <add>, %mul3A_306, %reduce_sum3A_307 [0] : vector<64x576xf32> to vector<576xf32>
    %broadcast_in_dim3A_309 = vector.shape_cast %reduce_sum3A_308 : vector<576xf32> to vector<1x576xf32>
    %add3A_310 = vector.broadcast %broadcast_in_dim3A_309 : vector<1x576xf32> to vector<1024x576xf32>
    %add3A_311 = arith.addf %add3A_310, %dot_general3A_305 : vector<1024x576xf32>
    %add3A_312 = vector.broadcast %get3A_6 : vector<1024x1xf32> to vector<1024x576xf32>
    %add3A_313 = arith.addf %add3A_311, %add3A_312 : vector<1024x576xf32>
    %reduce_min3A_314 = arith.constant dense<0x7F800000> : vector<576xf32>
    %reduce_min3A_315 = vector.multi_reduction <minimumf>, %add3A_313, %reduce_min3A_314 [0] : vector<1024x576xf32> to vector<576xf32>
    %broadcast_in_dim3A_316 = vector.shape_cast %reduce_min3A_315 : vector<576xf32> to vector<1x576xf32>
    %iota3A_317 = tpu.iota {dimensions = array<i32: 0>} : vector<1024x576xi32>
    %convert_element_type3A_318 = arith.sitofp %iota3A_317 : vector<1024x576xi32> to vector<1024x576xf32>
    %eq3A_319 = vector.broadcast %broadcast_in_dim3A_316 : vector<1x576xf32> to vector<1024x576xf32>
    %eq3A_320 = arith.cmpf oeq, %add3A_313, %eq3A_319 : vector<1024x576xf32>
    %jit3A_321 = arith.constant 1.024000e+03 : f32
    %broadcast_in_dim3A_322 = vector.broadcast %jit3A_321 : f32 to vector<1024x576xf32>
    %select_n3A_323 = arith.select %eq3A_320, %convert_element_type3A_318, %broadcast_in_dim3A_322 : vector<1024x576xi1>, vector<1024x576xf32>
    %reduce_min3A_324 = arith.constant dense<0x7F800000> : vector<576xf32>
    %reduce_min3A_325 = vector.multi_reduction <minimumf>, %select_n3A_323, %reduce_min3A_324 [0] : vector<1024x576xf32> to vector<576xf32>
    %broadcast_in_dim3A_326 = vector.shape_cast %reduce_min3A_325 : vector<576xf32> to vector<1x576xf32>
    %convert_element_type3A_327 = arith.fptosi %broadcast_in_dim3A_326 : vector<1x576xf32> to vector<1x576xi32>
    %reshape3A_328 = vector.shape_cast %convert_element_type3A_327 : vector<1x576xi32> to vector<576xi32>
    %swap3A_329 = arith.constant 5 : index
    %swap3A_330 = arith.constant 0 : index
    %swap3A_331 = arith.constant 0 : index
    %swap3A_332 = vector.load %arg3[%swap3A_329, %swap3A_330, %swap3A_331] : memref<16x1x640xi32, #tpu.memory_space<vmem>>, vector<1x1x576xi32>
    %swap3A_333 = vector.shape_cast %swap3A_332 : vector<1x1x576xi32> to vector<576xi32>
    %swap3A_334 = vector.shape_cast %reshape3A_328 : vector<576xi32> to vector<1x1x576xi32>
    tpu.vector_store %arg3[%swap3A_329, %swap3A_330, %swap3A_331], %swap3A_334 {strides = array<i32>} : memref<16x1x640xi32, #tpu.memory_space<vmem>>, vector<1x1x576xi32>,
    %eq3A_335 = vector.broadcast %broadcast_in_dim3A_326 : vector<1x576xf32> to vector<1024x576xf32>
    %eq3A_336 = arith.cmpf oeq, %select_n3A_323, %eq3A_335 : vector<1024x576xf32>
    %jit3A_337 = arith.constant 1.000000e+00 : f32
    %jit3A_338 = arith.constant 0.000000e+00 : f32
    %broadcast_in_dim3A_339 = vector.broadcast %jit3A_337 : f32 to vector<1024x576xf32>
    %broadcast_in_dim3A_340 = vector.broadcast %jit3A_338 : f32 to vector<1024x576xf32>
    %select_n3A_341 = arith.select %eq3A_336, %broadcast_in_dim3A_339, %broadcast_in_dim3A_340 : vector<1024x576xi1>, vector<1024x576xf32>
    %get3A_342 = arith.constant 0 : index
    %get3A_343 = arith.constant 0 : index
    %get3A_344 = vector.load %arg6[%get3A_342, %get3A_343] : memref<1024x576xf32, #tpu.memory_space<vmem>>, vector<1024x576xf32>
    %add3A_345 = arith.addf %get3A_344, %select_n3A_341 : vector<1024x576xf32>
    %swap3A_346 = arith.constant 0 : index
    %swap3A_347 = arith.constant 0 : index
    %swap3A_348 = vector.load %arg6[%swap3A_346, %swap3A_347] : memref<1024x576xf32, #tpu.memory_space<vmem>>, vector<1024x576xf32>
    tpu.vector_store %arg6[%swap3A_346, %swap3A_347], %add3A_345 {strides = array<i32>} : memref<1024x576xf32, #tpu.memory_space<vmem>>, vector<1024x576xf32>,
    %get3A_349 = arith.constant 0 : index
    %get3A_350 = arith.constant 0 : index
    %get3A_351 = vector.load %arg8[%get3A_349, %get3A_350] : memref<1x576xf32, #tpu.memory_space<vmem>>, vector<1x576xf32>
    %add3A_352 = arith.addf %get3A_351, %broadcast_in_dim3A_316 : vector<1x576xf32>
    %swap3A_353 = arith.constant 0 : index
    %swap3A_354 = arith.constant 0 : index
    %swap3A_355 = vector.load %arg8[%swap3A_353, %swap3A_354] : memref<1x576xf32, #tpu.memory_space<vmem>>, vector<1x576xf32>
    tpu.vector_store %arg8[%swap3A_353, %swap3A_354], %add3A_352 {strides = array<i32>} : memref<1x576xf32, #tpu.memory_space<vmem>>, vector<1x576xf32>,
    %get3A_356 = arith.constant 6 : index
    %get3A_357 = arith.constant 0 : index
    %get3A_358 = arith.constant 0 : index
    %get3A_359 = vector.load %arg1[%get3A_356, %get3A_357, %get3A_358] : memref<16x64x576xf32, #tpu.memory_space<vmem>>, vector<1x64x576xf32>
    %get3A_360 = vector.shape_cast %get3A_359 : vector<1x64x576xf32> to vector<64x576xf32>
    %mul3A_361 = arith.constant -2.000000e+00 : f32
    %mul3A_362 = vector.broadcast %mul3A_361 : f32 to vector<64x576xf32>
    %mul3A_363 = arith.mulf %get3A_360, %mul3A_362 : vector<64x576xf32>
    %dot_general3A_364 = arith.constant dense<0.000000e+00> : vector<1024x576xf32>
    %dot_general3A_365 = tpu.matmul %get3A_1, %mul3A_363, %dot_general3A_364 {dimension_numbers = #tpu.dot_dimension_numbers<[0], [0], [1], [1], [0, 1, 1, 1], [], []>, transpose_lhs_hint = false} : vector<64x1024xf32>, vector<64x576xf32>, vector<1024x576xf32> -> vector<1024x576xf32>
    %mul3A_366 = arith.mulf %get3A_360, %get3A_360 : vector<64x576xf32>
    %reduce_sum3A_367 = arith.constant dense<0.000000e+00> : vector<576xf32>
    %reduce_sum3A_368 = vector.multi_reduction <add>, %mul3A_366, %reduce_sum3A_367 [0] : vector<64x576xf32> to vector<576xf32>
    %broadcast_in_dim3A_369 = vector.shape_cast %reduce_sum3A_368 : vector<576xf32> to vector<1x576xf32>
    %add3A_370 = vector.broadcast %broadcast_in_dim3A_369 : vector<1x576xf32> to vector<1024x576xf32>
    %add3A_371 = arith.addf %add3A_370, %dot_general3A_365 : vector<1024x576xf32>
    %add3A_372 = vector.broadcast %get3A_6 : vector<1024x1xf32> to vector<1024x576xf32>
    %add3A_373 = arith.addf %add3A_371, %add3A_372 : vector<1024x576xf32>
    %reduce_min3A_374 = arith.constant dense<0x7F800000> : vector<576xf32>
    %reduce_min3A_375 = vector.multi_reduction <minimumf>, %add3A_373, %reduce_min3A_374 [0] : vector<1024x576xf32> to vector<576xf32>
    %broadcast_in_dim3A_376 = vector.shape_cast %reduce_min3A_375 : vector<576xf32> to vector<1x576xf32>
    %iota3A_377 = tpu.iota {dimensions = array<i32: 0>} : vector<1024x576xi32>
    %convert_element_type3A_378 = arith.sitofp %iota3A_377 : vector<1024x576xi32> to vector<1024x576xf32>
    %eq3A_379 = vector.broadcast %broadcast_in_dim3A_376 : vector<1x576xf32> to vector<1024x576xf32>
    %eq3A_380 = arith.cmpf oeq, %add3A_373, %eq3A_379 : vector<1024x576xf32>
    %jit3A_381 = arith.constant 1.024000e+03 : f32
    %broadcast_in_dim3A_382 = vector.broadcast %jit3A_381 : f32 to vector<1024x576xf32>
    %select_n3A_383 = arith.select %eq3A_380, %convert_element_type3A_378, %broadcast_in_dim3A_382 : vector<1024x576xi1>, vector<1024x576xf32>
    %reduce_min3A_384 = arith.constant dense<0x7F800000> : vector<576xf32>
    %reduce_min3A_385 = vector.multi_reduction <minimumf>, %select_n3A_383, %reduce_min3A_384 [0] : vector<1024x576xf32> to vector<576xf32>
    %broadcast_in_dim3A_386 = vector.shape_cast %reduce_min3A_385 : vector<576xf32> to vector<1x576xf32>
    %convert_element_type3A_387 = arith.fptosi %broadcast_in_dim3A_386 : vector<1x576xf32> to vector<1x576xi32>
    %reshape3A_388 = vector.shape_cast %convert_element_type3A_387 : vector<1x576xi32> to vector<576xi32>
    %swap3A_389 = arith.constant 6 : index
    %swap3A_390 = arith.constant 0 : index
    %swap3A_391 = arith.constant 0 : index
    %swap3A_392 = vector.load %arg3[%swap3A_389, %swap3A_390, %swap3A_391] : memref<16x1x640xi32, #tpu.memory_space<vmem>>, vector<1x1x576xi32>
    %swap3A_393 = vector.shape_cast %swap3A_392 : vector<1x1x576xi32> to vector<576xi32>
    %swap3A_394 = vector.shape_cast %reshape3A_388 : vector<576xi32> to vector<1x1x576xi32>
    tpu.vector_store %arg3[%swap3A_389, %swap3A_390, %swap3A_391], %swap3A_394 {strides = array<i32>} : memref<16x1x640xi32, #tpu.memory_space<vmem>>, vector<1x1x576xi32>,
    %eq3A_395 = vector.broadcast %broadcast_in_dim3A_386 : vector<1x576xf32> to vector<1024x576xf32>
    %eq3A_396 = arith.cmpf oeq, %select_n3A_383, %eq3A_395 : vector<1024x576xf32>
    %jit3A_397 = arith.constant 1.000000e+00 : f32
    %jit3A_398 = arith.constant 0.000000e+00 : f32
    %broadcast_in_dim3A_399 = vector.broadcast %jit3A_397 : f32 to vector<1024x576xf32>
    %broadcast_in_dim3A_400 = vector.broadcast %jit3A_398 : f32 to vector<1024x576xf32>
    %select_n3A_401 = arith.select %eq3A_396, %broadcast_in_dim3A_399, %broadcast_in_dim3A_400 : vector<1024x576xi1>, vector<1024x576xf32>
    %get3A_402 = arith.constant 0 : index
    %get3A_403 = arith.constant 0 : index
    %get3A_404 = vector.load %arg6[%get3A_402, %get3A_403] : memref<1024x576xf32, #tpu.memory_space<vmem>>, vector<1024x576xf32>
    %add3A_405 = arith.addf %get3A_404, %select_n3A_401 : vector<1024x576xf32>
    %swap3A_406 = arith.constant 0 : index
    %swap3A_407 = arith.constant 0 : index
    %swap3A_408 = vector.load %arg6[%swap3A_406, %swap3A_407] : memref<1024x576xf32, #tpu.memory_space<vmem>>, vector<1024x576xf32>
    tpu.vector_store %arg6[%swap3A_406, %swap3A_407], %add3A_405 {strides = array<i32>} : memref<1024x576xf32, #tpu.memory_space<vmem>>, vector<1024x576xf32>,
    %get3A_409 = arith.constant 0 : index
    %get3A_410 = arith.constant 0 : index
    %get3A_411 = vector.load %arg8[%get3A_409, %get3A_410] : memref<1x576xf32, #tpu.memory_space<vmem>>, vector<1x576xf32>
    %add3A_412 = arith.addf %get3A_411, %broadcast_in_dim3A_376 : vector<1x576xf32>
    %swap3A_413 = arith.constant 0 : index
    %swap3A_414 = arith.constant 0 : index
    %swap3A_415 = vector.load %arg8[%swap3A_413, %swap3A_414] : memref<1x576xf32, #tpu.memory_space<vmem>>, vector<1x576xf32>
    tpu.vector_store %arg8[%swap3A_413, %swap3A_414], %add3A_412 {strides = array<i32>} : memref<1x576xf32, #tpu.memory_space<vmem>>, vector<1x576xf32>,
    %get3A_416 = arith.constant 7 : index
    %get3A_417 = arith.constant 0 : index
    %get3A_418 = arith.constant 0 : index
    %get3A_419 = vector.load %arg1[%get3A_416, %get3A_417, %get3A_418] : memref<16x64x576xf32, #tpu.memory_space<vmem>>, vector<1x64x576xf32>
    %get3A_420 = vector.shape_cast %get3A_419 : vector<1x64x576xf32> to vector<64x576xf32>
    %mul3A_421 = arith.constant -2.000000e+00 : f32
    %mul3A_422 = vector.broadcast %mul3A_421 : f32 to vector<64x576xf32>
    %mul3A_423 = arith.mulf %get3A_420, %mul3A_422 : vector<64x576xf32>
    %dot_general3A_424 = arith.constant dense<0.000000e+00> : vector<1024x576xf32>
    %dot_general3A_425 = tpu.matmul %get3A_1, %mul3A_423, %dot_general3A_424 {dimension_numbers = #tpu.dot_dimension_numbers<[0], [0], [1], [1], [0, 1, 1, 1], [], []>, transpose_lhs_hint = false} : vector<64x1024xf32>, vector<64x576xf32>, vector<1024x576xf32> -> vector<1024x576xf32>
    %mul3A_426 = arith.mulf %get3A_420, %get3A_420 : vector<64x576xf32>
    %reduce_sum3A_427 = arith.constant dense<0.000000e+00> : vector<576xf32>
    %reduce_sum3A_428 = vector.multi_reduction <add>, %mul3A_426, %reduce_sum3A_427 [0] : vector<64x576xf32> to vector<576xf32>
    %broadcast_in_dim3A_429 = vector.shape_cast %reduce_sum3A_428 : vector<576xf32> to vector<1x576xf32>
    %add3A_430 = vector.broadcast %broadcast_in_dim3A_429 : vector<1x576xf32> to vector<1024x576xf32>
    %add3A_431 = arith.addf %add3A_430, %dot_general3A_425 : vector<1024x576xf32>
    %add3A_432 = vector.broadcast %get3A_6 : vector<1024x1xf32> to vector<1024x576xf32>
    %add3A_433 = arith.addf %add3A_431, %add3A_432 : vector<1024x576xf32>
    %reduce_min3A_434 = arith.constant dense<0x7F800000> : vector<576xf32>
    %reduce_min3A_435 = vector.multi_reduction <minimumf>, %add3A_433, %reduce_min3A_434 [0] : vector<1024x576xf32> to vector<576xf32>
    %broadcast_in_dim3A_436 = vector.shape_cast %reduce_min3A_435 : vector<576xf32> to vector<1x576xf32>
    %iota3A_437 = tpu.iota {dimensions = array<i32: 0>} : vector<1024x576xi32>
    %convert_element_type3A_438 = arith.sitofp %iota3A_437 : vector<1024x576xi32> to vector<1024x576xf32>
    %eq3A_439 = vector.broadcast %broadcast_in_dim3A_436 : vector<1x576xf32> to vector<1024x576xf32>
    %eq3A_440 = arith.cmpf oeq, %add3A_433, %eq3A_439 : vector<1024x576xf32>
    %jit3A_441 = arith.constant 1.024000e+03 : f32
    %broadcast_in_dim3A_442 = vector.broadcast %jit3A_441 : f32 to vector<1024x576xf32>
    %select_n3A_443 = arith.select %eq3A_440, %convert_element_type3A_438, %broadcast_in_dim3A_442 : vector<1024x576xi1>, vector<1024x576xf32>
    %reduce_min3A_444 = arith.constant dense<0x7F800000> : vector<576xf32>
    %reduce_min3A_445 = vector.multi_reduction <minimumf>, %select_n3A_443, %reduce_min3A_444 [0] : vector<1024x576xf32> to vector<576xf32>
    %broadcast_in_dim3A_446 = vector.shape_cast %reduce_min3A_445 : vector<576xf32> to vector<1x576xf32>
    %convert_element_type3A_447 = arith.fptosi %broadcast_in_dim3A_446 : vector<1x576xf32> to vector<1x576xi32>
    %reshape3A_448 = vector.shape_cast %convert_element_type3A_447 : vector<1x576xi32> to vector<576xi32>
    %swap3A_449 = arith.constant 7 : index
    %swap3A_450 = arith.constant 0 : index
    %swap3A_451 = arith.constant 0 : index
    %swap3A_452 = vector.load %arg3[%swap3A_449, %swap3A_450, %swap3A_451] : memref<16x1x640xi32, #tpu.memory_space<vmem>>, vector<1x1x576xi32>
    %swap3A_453 = vector.shape_cast %swap3A_452 : vector<1x1x576xi32> to vector<576xi32>
    %swap3A_454 = vector.shape_cast %reshape3A_448 : vector<576xi32> to vector<1x1x576xi32>
    tpu.vector_store %arg3[%swap3A_449, %swap3A_450, %swap3A_451], %swap3A_454 {strides = array<i32>} : memref<16x1x640xi32, #tpu.memory_space<vmem>>, vector<1x1x576xi32>,
    %eq3A_455 = vector.broadcast %broadcast_in_dim3A_446 : vector<1x576xf32> to vector<1024x576xf32>
    %eq3A_456 = arith.cmpf oeq, %select_n3A_443, %eq3A_455 : vector<1024x576xf32>
    %jit3A_457 = arith.constant 1.000000e+00 : f32
    %jit3A_458 = arith.constant 0.000000e+00 : f32
    %broadcast_in_dim3A_459 = vector.broadcast %jit3A_457 : f32 to vector<1024x576xf32>
    %broadcast_in_dim3A_460 = vector.broadcast %jit3A_458 : f32 to vector<1024x576xf32>
    %select_n3A_461 = arith.select %eq3A_456, %broadcast_in_dim3A_459, %broadcast_in_dim3A_460 : vector<1024x576xi1>, vector<1024x576xf32>
    %get3A_462 = arith.constant 0 : index
    %get3A_463 = arith.constant 0 : index
    %get3A_464 = vector.load %arg6[%get3A_462, %get3A_463] : memref<1024x576xf32, #tpu.memory_space<vmem>>, vector<1024x576xf32>
    %add3A_465 = arith.addf %get3A_464, %select_n3A_461 : vector<1024x576xf32>
    %swap3A_466 = arith.constant 0 : index
    %swap3A_467 = arith.constant 0 : index
    %swap3A_468 = vector.load %arg6[%swap3A_466, %swap3A_467] : memref<1024x576xf32, #tpu.memory_space<vmem>>, vector<1024x576xf32>
    tpu.vector_store %arg6[%swap3A_466, %swap3A_467], %add3A_465 {strides = array<i32>} : memref<1024x576xf32, #tpu.memory_space<vmem>>, vector<1024x576xf32>,
    %get3A_469 = arith.constant 0 : index
    %get3A_470 = arith.constant 0 : index
    %get3A_471 = vector.load %arg8[%get3A_469, %get3A_470] : memref<1x576xf32, #tpu.memory_space<vmem>>, vector<1x576xf32>
    %add3A_472 = arith.addf %get3A_471, %broadcast_in_dim3A_436 : vector<1x576xf32>
    %swap3A_473 = arith.constant 0 : index
    %swap3A_474 = arith.constant 0 : index
    %swap3A_475 = vector.load %arg8[%swap3A_473, %swap3A_474] : memref<1x576xf32, #tpu.memory_space<vmem>>, vector<1x576xf32>
    tpu.vector_store %arg8[%swap3A_473, %swap3A_474], %add3A_472 {strides = array<i32>} : memref<1x576xf32, #tpu.memory_space<vmem>>, vector<1x576xf32>,
    %get3A_476 = arith.constant 8 : index
    %get3A_477 = arith.constant 0 : index
    %get3A_478 = arith.constant 0 : index
    %get3A_479 = vector.load %arg1[%get3A_476, %get3A_477, %get3A_478] : memref<16x64x576xf32, #tpu.memory_space<vmem>>, vector<1x64x576xf32>
    %get3A_480 = vector.shape_cast %get3A_479 : vector<1x64x576xf32> to vector<64x576xf32>
    %mul3A_481 = arith.constant -2.000000e+00 : f32
    %mul3A_482 = vector.broadcast %mul3A_481 : f32 to vector<64x576xf32>
    %mul3A_483 = arith.mulf %get3A_480, %mul3A_482 : vector<64x576xf32>
    %dot_general3A_484 = arith.constant dense<0.000000e+00> : vector<1024x576xf32>
    %dot_general3A_485 = tpu.matmul %get3A_1, %mul3A_483, %dot_general3A_484 {dimension_numbers = #tpu.dot_dimension_numbers<[0], [0], [1], [1], [0, 1, 1, 1], [], []>, transpose_lhs_hint = false} : vector<64x1024xf32>, vector<64x576xf32>, vector<1024x576xf32> -> vector<1024x576xf32>
    %mul3A_486 = arith.mulf %get3A_480, %get3A_480 : vector<64x576xf32>
    %reduce_sum3A_487 = arith.constant dense<0.000000e+00> : vector<576xf32>
    %reduce_sum3A_488 = vector.multi_reduction <add>, %mul3A_486, %reduce_sum3A_487 [0] : vector<64x576xf32> to vector<576xf32>
    %broadcast_in_dim3A_489 = vector.shape_cast %reduce_sum3A_488 : vector<576xf32> to vector<1x576xf32>
    %add3A_490 = vector.broadcast %broadcast_in_dim3A_489 : vector<1x576xf32> to vector<1024x576xf32>
    %add3A_491 = arith.addf %add3A_490, %dot_general3A_485 : vector<1024x576xf32>
    %add3A_492 = vector.broadcast %get3A_6 : vector<1024x1xf32> to vector<1024x576xf32>
    %add3A_493 = arith.addf %add3A_491, %add3A_492 : vector<1024x576xf32>
    %reduce_min3A_494 = arith.constant dense<0x7F800000> : vector<576xf32>
    %reduce_min3A_495 = vector.multi_reduction <minimumf>, %add3A_493, %reduce_min3A_494 [0] : vector<1024x576xf32> to vector<576xf32>
    %broadcast_in_dim3A_496 = vector.shape_cast %reduce_min3A_495 : vector<576xf32> to vector<1x576xf32>
    %iota3A_497 = tpu.iota {dimensions = array<i32: 0>} : vector<1024x576xi32>
    %convert_element_type3A_498 = arith.sitofp %iota3A_497 : vector<1024x576xi32> to vector<1024x576xf32>
    %eq3A_499 = vector.broadcast %broadcast_in_dim3A_496 : vector<1x576xf32> to vector<1024x576xf32>
    %eq3A_500 = arith.cmpf oeq, %add3A_493, %eq3A_499 : vector<1024x576xf32>
    %jit3A_501 = arith.constant 1.024000e+03 : f32
    %broadcast_in_dim3A_502 = vector.broadcast %jit3A_501 : f32 to vector<1024x576xf32>
    %select_n3A_503 = arith.select %eq3A_500, %convert_element_type3A_498, %broadcast_in_dim3A_502 : vector<1024x576xi1>, vector<1024x576xf32>
    %reduce_min3A_504 = arith.constant dense<0x7F800000> : vector<576xf32>
    %reduce_min3A_505 = vector.multi_reduction <minimumf>, %select_n3A_503, %reduce_min3A_504 [0] : vector<1024x576xf32> to vector<576xf32>
    %broadcast_in_dim3A_506 = vector.shape_cast %reduce_min3A_505 : vector<576xf32> to vector<1x576xf32>
    %convert_element_type3A_507 = arith.fptosi %broadcast_in_dim3A_506 : vector<1x576xf32> to vector<1x576xi32>
    %reshape3A_508 = vector.shape_cast %convert_element_type3A_507 : vector<1x576xi32> to vector<576xi32>
    %swap3A_509 = arith.constant 8 : index
    %swap3A_510 = arith.constant 0 : index
    %swap3A_511 = arith.constant 0 : index
    %swap3A_512 = vector.load %arg3[%swap3A_509, %swap3A_510, %swap3A_511] : memref<16x1x640xi32, #tpu.memory_space<vmem>>, vector<1x1x576xi32>
    %swap3A_513 = vector.shape_cast %swap3A_512 : vector<1x1x576xi32> to vector<576xi32>
    %swap3A_514 = vector.shape_cast %reshape3A_508 : vector<576xi32> to vector<1x1x576xi32>
    tpu.vector_store %arg3[%swap3A_509, %swap3A_510, %swap3A_511], %swap3A_514 {strides = array<i32>} : memref<16x1x640xi32, #tpu.memory_space<vmem>>, vector<1x1x576xi32>,
    %eq3A_515 = vector.broadcast %broadcast_in_dim3A_506 : vector<1x576xf32> to vector<1024x576xf32>
    %eq3A_516 = arith.cmpf oeq, %select_n3A_503, %eq3A_515 : vector<1024x576xf32>
    %jit3A_517 = arith.constant 1.000000e+00 : f32
    %jit3A_518 = arith.constant 0.000000e+00 : f32
    %broadcast_in_dim3A_519 = vector.broadcast %jit3A_517 : f32 to vector<1024x576xf32>
    %broadcast_in_dim3A_520 = vector.broadcast %jit3A_518 : f32 to vector<1024x576xf32>
    %select_n3A_521 = arith.select %eq3A_516, %broadcast_in_dim3A_519, %broadcast_in_dim3A_520 : vector<1024x576xi1>, vector<1024x576xf32>
    %get3A_522 = arith.constant 0 : index
    %get3A_523 = arith.constant 0 : index
    %get3A_524 = vector.load %arg6[%get3A_522, %get3A_523] : memref<1024x576xf32, #tpu.memory_space<vmem>>, vector<1024x576xf32>
    %add3A_525 = arith.addf %get3A_524, %select_n3A_521 : vector<1024x576xf32>
    %swap3A_526 = arith.constant 0 : index
    %swap3A_527 = arith.constant 0 : index
    %swap3A_528 = vector.load %arg6[%swap3A_526, %swap3A_527] : memref<1024x576xf32, #tpu.memory_space<vmem>>, vector<1024x576xf32>
    tpu.vector_store %arg6[%swap3A_526, %swap3A_527], %add3A_525 {strides = array<i32>} : memref<1024x576xf32, #tpu.memory_space<vmem>>, vector<1024x576xf32>,
    %get3A_529 = arith.constant 0 : index
    %get3A_530 = arith.constant 0 : index
    %get3A_531 = vector.load %arg8[%get3A_529, %get3A_530] : memref<1x576xf32, #tpu.memory_space<vmem>>, vector<1x576xf32>
    %add3A_532 = arith.addf %get3A_531, %broadcast_in_dim3A_496 : vector<1x576xf32>
    %swap3A_533 = arith.constant 0 : index
    %swap3A_534 = arith.constant 0 : index
    %swap3A_535 = vector.load %arg8[%swap3A_533, %swap3A_534] : memref<1x576xf32, #tpu.memory_space<vmem>>, vector<1x576xf32>
    tpu.vector_store %arg8[%swap3A_533, %swap3A_534], %add3A_532 {strides = array<i32>} : memref<1x576xf32, #tpu.memory_space<vmem>>, vector<1x576xf32>,
    %get3A_536 = arith.constant 9 : index
    %get3A_537 = arith.constant 0 : index
    %get3A_538 = arith.constant 0 : index
    %get3A_539 = vector.load %arg1[%get3A_536, %get3A_537, %get3A_538] : memref<16x64x576xf32, #tpu.memory_space<vmem>>, vector<1x64x576xf32>
    %get3A_540 = vector.shape_cast %get3A_539 : vector<1x64x576xf32> to vector<64x576xf32>
    %mul3A_541 = arith.constant -2.000000e+00 : f32
    %mul3A_542 = vector.broadcast %mul3A_541 : f32 to vector<64x576xf32>
    %mul3A_543 = arith.mulf %get3A_540, %mul3A_542 : vector<64x576xf32>
    %dot_general3A_544 = arith.constant dense<0.000000e+00> : vector<1024x576xf32>
    %dot_general3A_545 = tpu.matmul %get3A_1, %mul3A_543, %dot_general3A_544 {dimension_numbers = #tpu.dot_dimension_numbers<[0], [0], [1], [1], [0, 1, 1, 1], [], []>, transpose_lhs_hint = false} : vector<64x1024xf32>, vector<64x576xf32>, vector<1024x576xf32> -> vector<1024x576xf32>
    %mul3A_546 = arith.mulf %get3A_540, %get3A_540 : vector<64x576xf32>
    %reduce_sum3A_547 = arith.constant dense<0.000000e+00> : vector<576xf32>
    %reduce_sum3A_548 = vector.multi_reduction <add>, %mul3A_546, %reduce_sum3A_547 [0] : vector<64x576xf32> to vector<576xf32>
    %broadcast_in_dim3A_549 = vector.shape_cast %reduce_sum3A_548 : vector<576xf32> to vector<1x576xf32>
    %add3A_550 = vector.broadcast %broadcast_in_dim3A_549 : vector<1x576xf32> to vector<1024x576xf32>
    %add3A_551 = arith.addf %add3A_550, %dot_general3A_545 : vector<1024x576xf32>
    %add3A_552 = vector.broadcast %get3A_6 : vector<1024x1xf32> to vector<1024x576xf32>
    %add3A_553 = arith.addf %add3A_551, %add3A_552 : vector<1024x576xf32>
    %reduce_min3A_554 = arith.constant dense<0x7F800000> : vector<576xf32>
    %reduce_min3A_555 = vector.multi_reduction <minimumf>, %add3A_553, %reduce_min3A_554 [0] : vector<1024x576xf32> to vector<576xf32>
    %broadcast_in_dim3A_556 = vector.shape_cast %reduce_min3A_555 : vector<576xf32> to vector<1x576xf32>
    %iota3A_557 = tpu.iota {dimensions = array<i32: 0>} : vector<1024x576xi32>
    %convert_element_type3A_558 = arith.sitofp %iota3A_557 : vector<1024x576xi32> to vector<1024x576xf32>
    %eq3A_559 = vector.broadcast %broadcast_in_dim3A_556 : vector<1x576xf32> to vector<1024x576xf32>
    %eq3A_560 = arith.cmpf oeq, %add3A_553, %eq3A_559 : vector<1024x576xf32>
    %jit3A_561 = arith.constant 1.024000e+03 : f32
    %broadcast_in_dim3A_562 = vector.broadcast %jit3A_561 : f32 to vector<1024x576xf32>
    %select_n3A_563 = arith.select %eq3A_560, %convert_element_type3A_558, %broadcast_in_dim3A_562 : vector<1024x576xi1>, vector<1024x576xf32>
    %reduce_min3A_564 = arith.constant dense<0x7F800000> : vector<576xf32>
    %reduce_min3A_565 = vector.multi_reduction <minimumf>, %select_n3A_563, %reduce_min3A_564 [0] : vector<1024x576xf32> to vector<576xf32>
    %broadcast_in_dim3A_566 = vector.shape_cast %reduce_min3A_565 : vector<576xf32> to vector<1x576xf32>
    %convert_element_type3A_567 = arith.fptosi %broadcast_in_dim3A_566 : vector<1x576xf32> to vector<1x576xi32>
    %reshape3A_568 = vector.shape_cast %convert_element_type3A_567 : vector<1x576xi32> to vector<576xi32>
    %swap3A_569 = arith.constant 9 : index
    %swap3A_570 = arith.constant 0 : index
    %swap3A_571 = arith.constant 0 : index
    %swap3A_572 = vector.load %arg3[%swap3A_569, %swap3A_570, %swap3A_571] : memref<16x1x640xi32, #tpu.memory_space<vmem>>, vector<1x1x576xi32>
    %swap3A_573 = vector.shape_cast %swap3A_572 : vector<1x1x576xi32> to vector<576xi32>
    %swap3A_574 = vector.shape_cast %reshape3A_568 : vector<576xi32> to vector<1x1x576xi32>
    tpu.vector_store %arg3[%swap3A_569, %swap3A_570, %swap3A_571], %swap3A_574 {strides = array<i32>} : memref<16x1x640xi32, #tpu.memory_space<vmem>>, vector<1x1x576xi32>,
    %eq3A_575 = vector.broadcast %broadcast_in_dim3A_566 : vector<1x576xf32> to vector<1024x576xf32>
    %eq3A_576 = arith.cmpf oeq, %select_n3A_563, %eq3A_575 : vector<1024x576xf32>
    %jit3A_577 = arith.constant 1.000000e+00 : f32
    %jit3A_578 = arith.constant 0.000000e+00 : f32
    %broadcast_in_dim3A_579 = vector.broadcast %jit3A_577 : f32 to vector<1024x576xf32>
    %broadcast_in_dim3A_580 = vector.broadcast %jit3A_578 : f32 to vector<1024x576xf32>
    %select_n3A_581 = arith.select %eq3A_576, %broadcast_in_dim3A_579, %broadcast_in_dim3A_580 : vector<1024x576xi1>, vector<1024x576xf32>
    %get3A_582 = arith.constant 0 : index
    %get3A_583 = arith.constant 0 : index
    %get3A_584 = vector.load %arg6[%get3A_582, %get3A_583] : memref<1024x576xf32, #tpu.memory_space<vmem>>, vector<1024x576xf32>
    %add3A_585 = arith.addf %get3A_584, %select_n3A_581 : vector<1024x576xf32>
    %swap3A_586 = arith.constant 0 : index
    %swap3A_587 = arith.constant 0 : index
    %swap3A_588 = vector.load %arg6[%swap3A_586, %swap3A_587] : memref<1024x576xf32, #tpu.memory_space<vmem>>, vector<1024x576xf32>
    tpu.vector_store %arg6[%swap3A_586, %swap3A_587], %add3A_585 {strides = array<i32>} : memref<1024x576xf32, #tpu.memory_space<vmem>>, vector<1024x576xf32>,
    %get3A_589 = arith.constant 0 : index
    %get3A_590 = arith.constant 0 : index
    %get3A_591 = vector.load %arg8[%get3A_589, %get3A_590] : memref<1x576xf32, #tpu.memory_space<vmem>>, vector<1x576xf32>
    %add3A_592 = arith.addf %get3A_591, %broadcast_in_dim3A_556 : vector<1x576xf32>
    %swap3A_593 = arith.constant 0 : index
    %swap3A_594 = arith.constant 0 : index
    %swap3A_595 = vector.load %arg8[%swap3A_593, %swap3A_594] : memref<1x576xf32, #tpu.memory_space<vmem>>, vector<1x576xf32>
    tpu.vector_store %arg8[%swap3A_593, %swap3A_594], %add3A_592 {strides = array<i32>} : memref<1x576xf32, #tpu.memory_space<vmem>>, vector<1x576xf32>,
    %get3A_596 = arith.constant 10 : index
    %get3A_597 = arith.constant 0 : index
    %get3A_598 = arith.constant 0 : index
    %get3A_599 = vector.load %arg1[%get3A_596, %get3A_597, %get3A_598] : memref<16x64x576xf32, #tpu.memory_space<vmem>>, vector<1x64x576xf32>
    %get3A_600 = vector.shape_cast %get3A_599 : vector<1x64x576xf32> to vector<64x576xf32>
    %mul3A_601 = arith.constant -2.000000e+00 : f32
    %mul3A_602 = vector.broadcast %mul3A_601 : f32 to vector<64x576xf32>
    %mul3A_603 = arith.mulf %get3A_600, %mul3A_602 : vector<64x576xf32>
    %dot_general3A_604 = arith.constant dense<0.000000e+00> : vector<1024x576xf32>
    %dot_general3A_605 = tpu.matmul %get3A_1, %mul3A_603, %dot_general3A_604 {dimension_numbers = #tpu.dot_dimension_numbers<[0], [0], [1], [1], [0, 1, 1, 1], [], []>, transpose_lhs_hint = false} : vector<64x1024xf32>, vector<64x576xf32>, vector<1024x576xf32> -> vector<1024x576xf32>
    %mul3A_606 = arith.mulf %get3A_600, %get3A_600 : vector<64x576xf32>
    %reduce_sum3A_607 = arith.constant dense<0.000000e+00> : vector<576xf32>
    %reduce_sum3A_608 = vector.multi_reduction <add>, %mul3A_606, %reduce_sum3A_607 [0] : vector<64x576xf32> to vector<576xf32>
    %broadcast_in_dim3A_609 = vector.shape_cast %reduce_sum3A_608 : vector<576xf32> to vector<1x576xf32>
    %add3A_610 = vector.broadcast %broadcast_in_dim3A_609 : vector<1x576xf32> to vector<1024x576xf32>
    %add3A_611 = arith.addf %add3A_610, %dot_general3A_605 : vector<1024x576xf32>
    %add3A_612 = vector.broadcast %get3A_6 : vector<1024x1xf32> to vector<1024x576xf32>
    %add3A_613 = arith.addf %add3A_611, %add3A_612 : vector<1024x576xf32>
    %reduce_min3A_614 = arith.constant dense<0x7F800000> : vector<576xf32>
    %reduce_min3A_615 = vector.multi_reduction <minimumf>, %add3A_613, %reduce_min3A_614 [0] : vector<1024x576xf32> to vector<576xf32>
    %broadcast_in_dim3A_616 = vector.shape_cast %reduce_min3A_615 : vector<576xf32> to vector<1x576xf32>
    %iota3A_617 = tpu.iota {dimensions = array<i32: 0>} : vector<1024x576xi32>
    %convert_element_type3A_618 = arith.sitofp %iota3A_617 : vector<1024x576xi32> to vector<1024x576xf32>
    %eq3A_619 = vector.broadcast %broadcast_in_dim3A_616 : vector<1x576xf32> to vector<1024x576xf32>
    %eq3A_620 = arith.cmpf oeq, %add3A_613, %eq3A_619 : vector<1024x576xf32>
    %jit3A_621 = arith.constant 1.024000e+03 : f32
    %broadcast_in_dim3A_622 = vector.broadcast %jit3A_621 : f32 to vector<1024x576xf32>
    %select_n3A_623 = arith.select %eq3A_620, %convert_element_type3A_618, %broadcast_in_dim3A_622 : vector<1024x576xi1>, vector<1024x576xf32>
    %reduce_min3A_624 = arith.constant dense<0x7F800000> : vector<576xf32>
    %reduce_min3A_625 = vector.multi_reduction <minimumf>, %select_n3A_623, %reduce_min3A_624 [0] : vector<1024x576xf32> to vector<576xf32>
    %broadcast_in_dim3A_626 = vector.shape_cast %reduce_min3A_625 : vector<576xf32> to vector<1x576xf32>
    %convert_element_type3A_627 = arith.fptosi %broadcast_in_dim3A_626 : vector<1x576xf32> to vector<1x576xi32>
    %reshape3A_628 = vector.shape_cast %convert_element_type3A_627 : vector<1x576xi32> to vector<576xi32>
    %swap3A_629 = arith.constant 10 : index
    %swap3A_630 = arith.constant 0 : index
    %swap3A_631 = arith.constant 0 : index
    %swap3A_632 = vector.load %arg3[%swap3A_629, %swap3A_630, %swap3A_631] : memref<16x1x640xi32, #tpu.memory_space<vmem>>, vector<1x1x576xi32>
    %swap3A_633 = vector.shape_cast %swap3A_632 : vector<1x1x576xi32> to vector<576xi32>
    %swap3A_634 = vector.shape_cast %reshape3A_628 : vector<576xi32> to vector<1x1x576xi32>
    tpu.vector_store %arg3[%swap3A_629, %swap3A_630, %swap3A_631], %swap3A_634 {strides = array<i32>} : memref<16x1x640xi32, #tpu.memory_space<vmem>>, vector<1x1x576xi32>,
    %eq3A_635 = vector.broadcast %broadcast_in_dim3A_626 : vector<1x576xf32> to vector<1024x576xf32>
    %eq3A_636 = arith.cmpf oeq, %select_n3A_623, %eq3A_635 : vector<1024x576xf32>
    %jit3A_637 = arith.constant 1.000000e+00 : f32
    %jit3A_638 = arith.constant 0.000000e+00 : f32
    %broadcast_in_dim3A_639 = vector.broadcast %jit3A_637 : f32 to vector<1024x576xf32>
    %broadcast_in_dim3A_640 = vector.broadcast %jit3A_638 : f32 to vector<1024x576xf32>
    %select_n3A_641 = arith.select %eq3A_636, %broadcast_in_dim3A_639, %broadcast_in_dim3A_640 : vector<1024x576xi1>, vector<1024x576xf32>
    %get3A_642 = arith.constant 0 : index
    %get3A_643 = arith.constant 0 : index
    %get3A_644 = vector.load %arg6[%get3A_642, %get3A_643] : memref<1024x576xf32, #tpu.memory_space<vmem>>, vector<1024x576xf32>
    %add3A_645 = arith.addf %get3A_644, %select_n3A_641 : vector<1024x576xf32>
    %swap3A_646 = arith.constant 0 : index
    %swap3A_647 = arith.constant 0 : index
    %swap3A_648 = vector.load %arg6[%swap3A_646, %swap3A_647] : memref<1024x576xf32, #tpu.memory_space<vmem>>, vector<1024x576xf32>
    tpu.vector_store %arg6[%swap3A_646, %swap3A_647], %add3A_645 {strides = array<i32>} : memref<1024x576xf32, #tpu.memory_space<vmem>>, vector<1024x576xf32>,
    %get3A_649 = arith.constant 0 : index
    %get3A_650 = arith.constant 0 : index
    %get3A_651 = vector.load %arg8[%get3A_649, %get3A_650] : memref<1x576xf32, #tpu.memory_space<vmem>>, vector<1x576xf32>
    %add3A_652 = arith.addf %get3A_651, %broadcast_in_dim3A_616 : vector<1x576xf32>
    %swap3A_653 = arith.constant 0 : index
    %swap3A_654 = arith.constant 0 : index
    %swap3A_655 = vector.load %arg8[%swap3A_653, %swap3A_654] : memref<1x576xf32, #tpu.memory_space<vmem>>, vector<1x576xf32>
    tpu.vector_store %arg8[%swap3A_653, %swap3A_654], %add3A_652 {strides = array<i32>} : memref<1x576xf32, #tpu.memory_space<vmem>>, vector<1x576xf32>,
    %get3A_656 = arith.constant 11 : index
    %get3A_657 = arith.constant 0 : index
    %get3A_658 = arith.constant 0 : index
    %get3A_659 = vector.load %arg1[%get3A_656, %get3A_657, %get3A_658] : memref<16x64x576xf32, #tpu.memory_space<vmem>>, vector<1x64x576xf32>
    %get3A_660 = vector.shape_cast %get3A_659 : vector<1x64x576xf32> to vector<64x576xf32>
    %mul3A_661 = arith.constant -2.000000e+00 : f32
    %mul3A_662 = vector.broadcast %mul3A_661 : f32 to vector<64x576xf32>
    %mul3A_663 = arith.mulf %get3A_660, %mul3A_662 : vector<64x576xf32>
    %dot_general3A_664 = arith.constant dense<0.000000e+00> : vector<1024x576xf32>
    %dot_general3A_665 = tpu.matmul %get3A_1, %mul3A_663, %dot_general3A_664 {dimension_numbers = #tpu.dot_dimension_numbers<[0], [0], [1], [1], [0, 1, 1, 1], [], []>, transpose_lhs_hint = false} : vector<64x1024xf32>, vector<64x576xf32>, vector<1024x576xf32> -> vector<1024x576xf32>
    %mul3A_666 = arith.mulf %get3A_660, %get3A_660 : vector<64x576xf32>
    %reduce_sum3A_667 = arith.constant dense<0.000000e+00> : vector<576xf32>
    %reduce_sum3A_668 = vector.multi_reduction <add>, %mul3A_666, %reduce_sum3A_667 [0] : vector<64x576xf32> to vector<576xf32>
    %broadcast_in_dim3A_669 = vector.shape_cast %reduce_sum3A_668 : vector<576xf32> to vector<1x576xf32>
    %add3A_670 = vector.broadcast %broadcast_in_dim3A_669 : vector<1x576xf32> to vector<1024x576xf32>
    %add3A_671 = arith.addf %add3A_670, %dot_general3A_665 : vector<1024x576xf32>
    %add3A_672 = vector.broadcast %get3A_6 : vector<1024x1xf32> to vector<1024x576xf32>
    %add3A_673 = arith.addf %add3A_671, %add3A_672 : vector<1024x576xf32>
    %reduce_min3A_674 = arith.constant dense<0x7F800000> : vector<576xf32>
    %reduce_min3A_675 = vector.multi_reduction <minimumf>, %add3A_673, %reduce_min3A_674 [0] : vector<1024x576xf32> to vector<576xf32>
    %broadcast_in_dim3A_676 = vector.shape_cast %reduce_min3A_675 : vector<576xf32> to vector<1x576xf32>
    %iota3A_677 = tpu.iota {dimensions = array<i32: 0>} : vector<1024x576xi32>
    %convert_element_type3A_678 = arith.sitofp %iota3A_677 : vector<1024x576xi32> to vector<1024x576xf32>
    %eq3A_679 = vector.broadcast %broadcast_in_dim3A_676 : vector<1x576xf32> to vector<1024x576xf32>
    %eq3A_680 = arith.cmpf oeq, %add3A_673, %eq3A_679 : vector<1024x576xf32>
    %jit3A_681 = arith.constant 1.024000e+03 : f32
    %broadcast_in_dim3A_682 = vector.broadcast %jit3A_681 : f32 to vector<1024x576xf32>
    %select_n3A_683 = arith.select %eq3A_680, %convert_element_type3A_678, %broadcast_in_dim3A_682 : vector<1024x576xi1>, vector<1024x576xf32>
    %reduce_min3A_684 = arith.constant dense<0x7F800000> : vector<576xf32>
    %reduce_min3A_685 = vector.multi_reduction <minimumf>, %select_n3A_683, %reduce_min3A_684 [0] : vector<1024x576xf32> to vector<576xf32>
    %broadcast_in_dim3A_686 = vector.shape_cast %reduce_min3A_685 : vector<576xf32> to vector<1x576xf32>
    %convert_element_type3A_687 = arith.fptosi %broadcast_in_dim3A_686 : vector<1x576xf32> to vector<1x576xi32>
    %reshape3A_688 = vector.shape_cast %convert_element_type3A_687 : vector<1x576xi32> to vector<576xi32>
    %swap3A_689 = arith.constant 11 : index
    %swap3A_690 = arith.constant 0 : index
    %swap3A_691 = arith.constant 0 : index
    %swap3A_692 = vector.load %arg3[%swap3A_689, %swap3A_690, %swap3A_691] : memref<16x1x640xi32, #tpu.memory_space<vmem>>, vector<1x1x576xi32>
    %swap3A_693 = vector.shape_cast %swap3A_692 : vector<1x1x576xi32> to vector<576xi32>
    %swap3A_694 = vector.shape_cast %reshape3A_688 : vector<576xi32> to vector<1x1x576xi32>
    tpu.vector_store %arg3[%swap3A_689, %swap3A_690, %swap3A_691], %swap3A_694 {strides = array<i32>} : memref<16x1x640xi32, #tpu.memory_space<vmem>>, vector<1x1x576xi32>,
    %eq3A_695 = vector.broadcast %broadcast_in_dim3A_686 : vector<1x576xf32> to vector<1024x576xf32>
    %eq3A_696 = arith.cmpf oeq, %select_n3A_683, %eq3A_695 : vector<1024x576xf32>
    %jit3A_697 = arith.constant 1.000000e+00 : f32
    %jit3A_698 = arith.constant 0.000000e+00 : f32
    %broadcast_in_dim3A_699 = vector.broadcast %jit3A_697 : f32 to vector<1024x576xf32>
    %broadcast_in_dim3A_700 = vector.broadcast %jit3A_698 : f32 to vector<1024x576xf32>
    %select_n3A_701 = arith.select %eq3A_696, %broadcast_in_dim3A_699, %broadcast_in_dim3A_700 : vector<1024x576xi1>, vector<1024x576xf32>
    %get3A_702 = arith.constant 0 : index
    %get3A_703 = arith.constant 0 : index
    %get3A_704 = vector.load %arg6[%get3A_702, %get3A_703] : memref<1024x576xf32, #tpu.memory_space<vmem>>, vector<1024x576xf32>
    %add3A_705 = arith.addf %get3A_704, %select_n3A_701 : vector<1024x576xf32>
    %swap3A_706 = arith.constant 0 : index
    %swap3A_707 = arith.constant 0 : index
    %swap3A_708 = vector.load %arg6[%swap3A_706, %swap3A_707] : memref<1024x576xf32, #tpu.memory_space<vmem>>, vector<1024x576xf32>
    tpu.vector_store %arg6[%swap3A_706, %swap3A_707], %add3A_705 {strides = array<i32>} : memref<1024x576xf32, #tpu.memory_space<vmem>>, vector<1024x576xf32>,
    %get3A_709 = arith.constant 0 : index
    %get3A_710 = arith.constant 0 : index
    %get3A_711 = vector.load %arg8[%get3A_709, %get3A_710] : memref<1x576xf32, #tpu.memory_space<vmem>>, vector<1x576xf32>
    %add3A_712 = arith.addf %get3A_711, %broadcast_in_dim3A_676 : vector<1x576xf32>
    %swap3A_713 = arith.constant 0 : index
    %swap3A_714 = arith.constant 0 : index
    %swap3A_715 = vector.load %arg8[%swap3A_713, %swap3A_714] : memref<1x576xf32, #tpu.memory_space<vmem>>, vector<1x576xf32>
    tpu.vector_store %arg8[%swap3A_713, %swap3A_714], %add3A_712 {strides = array<i32>} : memref<1x576xf32, #tpu.memory_space<vmem>>, vector<1x576xf32>,
    %get3A_716 = arith.constant 12 : index
    %get3A_717 = arith.constant 0 : index
    %get3A_718 = arith.constant 0 : index
    %get3A_719 = vector.load %arg1[%get3A_716, %get3A_717, %get3A_718] : memref<16x64x576xf32, #tpu.memory_space<vmem>>, vector<1x64x576xf32>
    %get3A_720 = vector.shape_cast %get3A_719 : vector<1x64x576xf32> to vector<64x576xf32>
    %mul3A_721 = arith.constant -2.000000e+00 : f32
    %mul3A_722 = vector.broadcast %mul3A_721 : f32 to vector<64x576xf32>
    %mul3A_723 = arith.mulf %get3A_720, %mul3A_722 : vector<64x576xf32>
    %dot_general3A_724 = arith.constant dense<0.000000e+00> : vector<1024x576xf32>
    %dot_general3A_725 = tpu.matmul %get3A_1, %mul3A_723, %dot_general3A_724 {dimension_numbers = #tpu.dot_dimension_numbers<[0], [0], [1], [1], [0, 1, 1, 1], [], []>, transpose_lhs_hint = false} : vector<64x1024xf32>, vector<64x576xf32>, vector<1024x576xf32> -> vector<1024x576xf32>
    %mul3A_726 = arith.mulf %get3A_720, %get3A_720 : vector<64x576xf32>
    %reduce_sum3A_727 = arith.constant dense<0.000000e+00> : vector<576xf32>
    %reduce_sum3A_728 = vector.multi_reduction <add>, %mul3A_726, %reduce_sum3A_727 [0] : vector<64x576xf32> to vector<576xf32>
    %broadcast_in_dim3A_729 = vector.shape_cast %reduce_sum3A_728 : vector<576xf32> to vector<1x576xf32>
    %add3A_730 = vector.broadcast %broadcast_in_dim3A_729 : vector<1x576xf32> to vector<1024x576xf32>
    %add3A_731 = arith.addf %add3A_730, %dot_general3A_725 : vector<1024x576xf32>
    %add3A_732 = vector.broadcast %get3A_6 : vector<1024x1xf32> to vector<1024x576xf32>
    %add3A_733 = arith.addf %add3A_731, %add3A_732 : vector<1024x576xf32>
    %reduce_min3A_734 = arith.constant dense<0x7F800000> : vector<576xf32>
    %reduce_min3A_735 = vector.multi_reduction <minimumf>, %add3A_733, %reduce_min3A_734 [0] : vector<1024x576xf32> to vector<576xf32>
    %broadcast_in_dim3A_736 = vector.shape_cast %reduce_min3A_735 : vector<576xf32> to vector<1x576xf32>
    %iota3A_737 = tpu.iota {dimensions = array<i32: 0>} : vector<1024x576xi32>
    %convert_element_type3A_738 = arith.sitofp %iota3A_737 : vector<1024x576xi32> to vector<1024x576xf32>
    %eq3A_739 = vector.broadcast %broadcast_in_dim3A_736 : vector<1x576xf32> to vector<1024x576xf32>
    %eq3A_740 = arith.cmpf oeq, %add3A_733, %eq3A_739 : vector<1024x576xf32>
    %jit3A_741 = arith.constant 1.024000e+03 : f32
    %broadcast_in_dim3A_742 = vector.broadcast %jit3A_741 : f32 to vector<1024x576xf32>
    %select_n3A_743 = arith.select %eq3A_740, %convert_element_type3A_738, %broadcast_in_dim3A_742 : vector<1024x576xi1>, vector<1024x576xf32>
    %reduce_min3A_744 = arith.constant dense<0x7F800000> : vector<576xf32>
    %reduce_min3A_745 = vector.multi_reduction <minimumf>, %select_n3A_743, %reduce_min3A_744 [0] : vector<1024x576xf32> to vector<576xf32>
    %broadcast_in_dim3A_746 = vector.shape_cast %reduce_min3A_745 : vector<576xf32> to vector<1x576xf32>
    %convert_element_type3A_747 = arith.fptosi %broadcast_in_dim3A_746 : vector<1x576xf32> to vector<1x576xi32>
    %reshape3A_748 = vector.shape_cast %convert_element_type3A_747 : vector<1x576xi32> to vector<576xi32>
    %swap3A_749 = arith.constant 12 : index
    %swap3A_750 = arith.constant 0 : index
    %swap3A_751 = arith.constant 0 : index
    %swap3A_752 = vector.load %arg3[%swap3A_749, %swap3A_750, %swap3A_751] : memref<16x1x640xi32, #tpu.memory_space<vmem>>, vector<1x1x576xi32>
    %swap3A_753 = vector.shape_cast %swap3A_752 : vector<1x1x576xi32> to vector<576xi32>
    %swap3A_754 = vector.shape_cast %reshape3A_748 : vector<576xi32> to vector<1x1x576xi32>
    tpu.vector_store %arg3[%swap3A_749, %swap3A_750, %swap3A_751], %swap3A_754 {strides = array<i32>} : memref<16x1x640xi32, #tpu.memory_space<vmem>>, vector<1x1x576xi32>,
    %eq3A_755 = vector.broadcast %broadcast_in_dim3A_746 : vector<1x576xf32> to vector<1024x576xf32>
    %eq3A_756 = arith.cmpf oeq, %select_n3A_743, %eq3A_755 : vector<1024x576xf32>
    %jit3A_757 = arith.constant 1.000000e+00 : f32
    %jit3A_758 = arith.constant 0.000000e+00 : f32
    %broadcast_in_dim3A_759 = vector.broadcast %jit3A_757 : f32 to vector<1024x576xf32>
    %broadcast_in_dim3A_760 = vector.broadcast %jit3A_758 : f32 to vector<1024x576xf32>
    %select_n3A_761 = arith.select %eq3A_756, %broadcast_in_dim3A_759, %broadcast_in_dim3A_760 : vector<1024x576xi1>, vector<1024x576xf32>
    %get3A_762 = arith.constant 0 : index
    %get3A_763 = arith.constant 0 : index
    %get3A_764 = vector.load %arg6[%get3A_762, %get3A_763] : memref<1024x576xf32, #tpu.memory_space<vmem>>, vector<1024x576xf32>
    %add3A_765 = arith.addf %get3A_764, %select_n3A_761 : vector<1024x576xf32>
    %swap3A_766 = arith.constant 0 : index
    %swap3A_767 = arith.constant 0 : index
    %swap3A_768 = vector.load %arg6[%swap3A_766, %swap3A_767] : memref<1024x576xf32, #tpu.memory_space<vmem>>, vector<1024x576xf32>
    tpu.vector_store %arg6[%swap3A_766, %swap3A_767], %add3A_765 {strides = array<i32>} : memref<1024x576xf32, #tpu.memory_space<vmem>>, vector<1024x576xf32>,
    %get3A_769 = arith.constant 0 : index
    %get3A_770 = arith.constant 0 : index
    %get3A_771 = vector.load %arg8[%get3A_769, %get3A_770] : memref<1x576xf32, #tpu.memory_space<vmem>>, vector<1x576xf32>
    %add3A_772 = arith.addf %get3A_771, %broadcast_in_dim3A_736 : vector<1x576xf32>
    %swap3A_773 = arith.constant 0 : index
    %swap3A_774 = arith.constant 0 : index
    %swap3A_775 = vector.load %arg8[%swap3A_773, %swap3A_774] : memref<1x576xf32, #tpu.memory_space<vmem>>, vector<1x576xf32>
    tpu.vector_store %arg8[%swap3A_773, %swap3A_774], %add3A_772 {strides = array<i32>} : memref<1x576xf32, #tpu.memory_space<vmem>>, vector<1x576xf32>,
    %get3A_776 = arith.constant 13 : index
    %get3A_777 = arith.constant 0 : index
    %get3A_778 = arith.constant 0 : index
    %get3A_779 = vector.load %arg1[%get3A_776, %get3A_777, %get3A_778] : memref<16x64x576xf32, #tpu.memory_space<vmem>>, vector<1x64x576xf32>
    %get3A_780 = vector.shape_cast %get3A_779 : vector<1x64x576xf32> to vector<64x576xf32>
    %mul3A_781 = arith.constant -2.000000e+00 : f32
    %mul3A_782 = vector.broadcast %mul3A_781 : f32 to vector<64x576xf32>
    %mul3A_783 = arith.mulf %get3A_780, %mul3A_782 : vector<64x576xf32>
    %dot_general3A_784 = arith.constant dense<0.000000e+00> : vector<1024x576xf32>
    %dot_general3A_785 = tpu.matmul %get3A_1, %mul3A_783, %dot_general3A_784 {dimension_numbers = #tpu.dot_dimension_numbers<[0], [0], [1], [1], [0, 1, 1, 1], [], []>, transpose_lhs_hint = false} : vector<64x1024xf32>, vector<64x576xf32>, vector<1024x576xf32> -> vector<1024x576xf32>
    %mul3A_786 = arith.mulf %get3A_780, %get3A_780 : vector<64x576xf32>
    %reduce_sum3A_787 = arith.constant dense<0.000000e+00> : vector<576xf32>
    %reduce_sum3A_788 = vector.multi_reduction <add>, %mul3A_786, %reduce_sum3A_787 [0] : vector<64x576xf32> to vector<576xf32>
    %broadcast_in_dim3A_789 = vector.shape_cast %reduce_sum3A_788 : vector<576xf32> to vector<1x576xf32>
    %add3A_790 = vector.broadcast %broadcast_in_dim3A_789 : vector<1x576xf32> to vector<1024x576xf32>
    %add3A_791 = arith.addf %add3A_790, %dot_general3A_785 : vector<1024x576xf32>
    %add3A_792 = vector.broadcast %get3A_6 : vector<1024x1xf32> to vector<1024x576xf32>
    %add3A_793 = arith.addf %add3A_791, %add3A_792 : vector<1024x576xf32>
    %reduce_min3A_794 = arith.constant dense<0x7F800000> : vector<576xf32>
    %reduce_min3A_795 = vector.multi_reduction <minimumf>, %add3A_793, %reduce_min3A_794 [0] : vector<1024x576xf32> to vector<576xf32>
    %broadcast_in_dim3A_796 = vector.shape_cast %reduce_min3A_795 : vector<576xf32> to vector<1x576xf32>
    %iota3A_797 = tpu.iota {dimensions = array<i32: 0>} : vector<1024x576xi32>
    %convert_element_type3A_798 = arith.sitofp %iota3A_797 : vector<1024x576xi32> to vector<1024x576xf32>
    %eq3A_799 = vector.broadcast %broadcast_in_dim3A_796 : vector<1x576xf32> to vector<1024x576xf32>
    %eq3A_800 = arith.cmpf oeq, %add3A_793, %eq3A_799 : vector<1024x576xf32>
    %jit3A_801 = arith.constant 1.024000e+03 : f32
    %broadcast_in_dim3A_802 = vector.broadcast %jit3A_801 : f32 to vector<1024x576xf32>
    %select_n3A_803 = arith.select %eq3A_800, %convert_element_type3A_798, %broadcast_in_dim3A_802 : vector<1024x576xi1>, vector<1024x576xf32>
    %reduce_min3A_804 = arith.constant dense<0x7F800000> : vector<576xf32>
    %reduce_min3A_805 = vector.multi_reduction <minimumf>, %select_n3A_803, %reduce_min3A_804 [0] : vector<1024x576xf32> to vector<576xf32>
    %broadcast_in_dim3A_806 = vector.shape_cast %reduce_min3A_805 : vector<576xf32> to vector<1x576xf32>
    %convert_element_type3A_807 = arith.fptosi %broadcast_in_dim3A_806 : vector<1x576xf32> to vector<1x576xi32>
    %reshape3A_808 = vector.shape_cast %convert_element_type3A_807 : vector<1x576xi32> to vector<576xi32>
    %swap3A_809 = arith.constant 13 : index
    %swap3A_810 = arith.constant 0 : index
    %swap3A_811 = arith.constant 0 : index
    %swap3A_812 = vector.load %arg3[%swap3A_809, %swap3A_810, %swap3A_811] : memref<16x1x640xi32, #tpu.memory_space<vmem>>, vector<1x1x576xi32>
    %swap3A_813 = vector.shape_cast %swap3A_812 : vector<1x1x576xi32> to vector<576xi32>
    %swap3A_814 = vector.shape_cast %reshape3A_808 : vector<576xi32> to vector<1x1x576xi32>
    tpu.vector_store %arg3[%swap3A_809, %swap3A_810, %swap3A_811], %swap3A_814 {strides = array<i32>} : memref<16x1x640xi32, #tpu.memory_space<vmem>>, vector<1x1x576xi32>,
    %eq3A_815 = vector.broadcast %broadcast_in_dim3A_806 : vector<1x576xf32> to vector<1024x576xf32>
    %eq3A_816 = arith.cmpf oeq, %select_n3A_803, %eq3A_815 : vector<1024x576xf32>
    %jit3A_817 = arith.constant 1.000000e+00 : f32
    %jit3A_818 = arith.constant 0.000000e+00 : f32
    %broadcast_in_dim3A_819 = vector.broadcast %jit3A_817 : f32 to vector<1024x576xf32>
    %broadcast_in_dim3A_820 = vector.broadcast %jit3A_818 : f32 to vector<1024x576xf32>
    %select_n3A_821 = arith.select %eq3A_816, %broadcast_in_dim3A_819, %broadcast_in_dim3A_820 : vector<1024x576xi1>, vector<1024x576xf32>
    %get3A_822 = arith.constant 0 : index
    %get3A_823 = arith.constant 0 : index
    %get3A_824 = vector.load %arg6[%get3A_822, %get3A_823] : memref<1024x576xf32, #tpu.memory_space<vmem>>, vector<1024x576xf32>
    %add3A_825 = arith.addf %get3A_824, %select_n3A_821 : vector<1024x576xf32>
    %swap3A_826 = arith.constant 0 : index
    %swap3A_827 = arith.constant 0 : index
    %swap3A_828 = vector.load %arg6[%swap3A_826, %swap3A_827] : memref<1024x576xf32, #tpu.memory_space<vmem>>, vector<1024x576xf32>
    tpu.vector_store %arg6[%swap3A_826, %swap3A_827], %add3A_825 {strides = array<i32>} : memref<1024x576xf32, #tpu.memory_space<vmem>>, vector<1024x576xf32>,
    %get3A_829 = arith.constant 0 : index
    %get3A_830 = arith.constant 0 : index
    %get3A_831 = vector.load %arg8[%get3A_829, %get3A_830] : memref<1x576xf32, #tpu.memory_space<vmem>>, vector<1x576xf32>
    %add3A_832 = arith.addf %get3A_831, %broadcast_in_dim3A_796 : vector<1x576xf32>
    %swap3A_833 = arith.constant 0 : index
    %swap3A_834 = arith.constant 0 : index
    %swap3A_835 = vector.load %arg8[%swap3A_833, %swap3A_834] : memref<1x576xf32, #tpu.memory_space<vmem>>, vector<1x576xf32>
    tpu.vector_store %arg8[%swap3A_833, %swap3A_834], %add3A_832 {strides = array<i32>} : memref<1x576xf32, #tpu.memory_space<vmem>>, vector<1x576xf32>,
    %get3A_836 = arith.constant 14 : index
    %get3A_837 = arith.constant 0 : index
    %get3A_838 = arith.constant 0 : index
    %get3A_839 = vector.load %arg1[%get3A_836, %get3A_837, %get3A_838] : memref<16x64x576xf32, #tpu.memory_space<vmem>>, vector<1x64x576xf32>
    %get3A_840 = vector.shape_cast %get3A_839 : vector<1x64x576xf32> to vector<64x576xf32>
    %mul3A_841 = arith.constant -2.000000e+00 : f32
    %mul3A_842 = vector.broadcast %mul3A_841 : f32 to vector<64x576xf32>
    %mul3A_843 = arith.mulf %get3A_840, %mul3A_842 : vector<64x576xf32>
    %dot_general3A_844 = arith.constant dense<0.000000e+00> : vector<1024x576xf32>
    %dot_general3A_845 = tpu.matmul %get3A_1, %mul3A_843, %dot_general3A_844 {dimension_numbers = #tpu.dot_dimension_numbers<[0], [0], [1], [1], [0, 1, 1, 1], [], []>, transpose_lhs_hint = false} : vector<64x1024xf32>, vector<64x576xf32>, vector<1024x576xf32> -> vector<1024x576xf32>
    %mul3A_846 = arith.mulf %get3A_840, %get3A_840 : vector<64x576xf32>
    %reduce_sum3A_847 = arith.constant dense<0.000000e+00> : vector<576xf32>
    %reduce_sum3A_848 = vector.multi_reduction <add>, %mul3A_846, %reduce_sum3A_847 [0] : vector<64x576xf32> to vector<576xf32>
    %broadcast_in_dim3A_849 = vector.shape_cast %reduce_sum3A_848 : vector<576xf32> to vector<1x576xf32>
    %add3A_850 = vector.broadcast %broadcast_in_dim3A_849 : vector<1x576xf32> to vector<1024x576xf32>
    %add3A_851 = arith.addf %add3A_850, %dot_general3A_845 : vector<1024x576xf32>
    %add3A_852 = vector.broadcast %get3A_6 : vector<1024x1xf32> to vector<1024x576xf32>
    %add3A_853 = arith.addf %add3A_851, %add3A_852 : vector<1024x576xf32>
    %reduce_min3A_854 = arith.constant dense<0x7F800000> : vector<576xf32>
    %reduce_min3A_855 = vector.multi_reduction <minimumf>, %add3A_853, %reduce_min3A_854 [0] : vector<1024x576xf32> to vector<576xf32>
    %broadcast_in_dim3A_856 = vector.shape_cast %reduce_min3A_855 : vector<576xf32> to vector<1x576xf32>
    %iota3A_857 = tpu.iota {dimensions = array<i32: 0>} : vector<1024x576xi32>
    %convert_element_type3A_858 = arith.sitofp %iota3A_857 : vector<1024x576xi32> to vector<1024x576xf32>
    %eq3A_859 = vector.broadcast %broadcast_in_dim3A_856 : vector<1x576xf32> to vector<1024x576xf32>
    %eq3A_860 = arith.cmpf oeq, %add3A_853, %eq3A_859 : vector<1024x576xf32>
    %jit3A_861 = arith.constant 1.024000e+03 : f32
    %broadcast_in_dim3A_862 = vector.broadcast %jit3A_861 : f32 to vector<1024x576xf32>
    %select_n3A_863 = arith.select %eq3A_860, %convert_element_type3A_858, %broadcast_in_dim3A_862 : vector<1024x576xi1>, vector<1024x576xf32>
    %reduce_min3A_864 = arith.constant dense<0x7F800000> : vector<576xf32>
    %reduce_min3A_865 = vector.multi_reduction <minimumf>, %select_n3A_863, %reduce_min3A_864 [0] : vector<1024x576xf32> to vector<576xf32>
    %broadcast_in_dim3A_866 = vector.shape_cast %reduce_min3A_865 : vector<576xf32> to vector<1x576xf32>
    %convert_element_type3A_867 = arith.fptosi %broadcast_in_dim3A_866 : vector<1x576xf32> to vector<1x576xi32>
    %reshape3A_868 = vector.shape_cast %convert_element_type3A_867 : vector<1x576xi32> to vector<576xi32>
    %swap3A_869 = arith.constant 14 : index
    %swap3A_870 = arith.constant 0 : index
    %swap3A_871 = arith.constant 0 : index
    %swap3A_872 = vector.load %arg3[%swap3A_869, %swap3A_870, %swap3A_871] : memref<16x1x640xi32, #tpu.memory_space<vmem>>, vector<1x1x576xi32>
    %swap3A_873 = vector.shape_cast %swap3A_872 : vector<1x1x576xi32> to vector<576xi32>
    %swap3A_874 = vector.shape_cast %reshape3A_868 : vector<576xi32> to vector<1x1x576xi32>
    tpu.vector_store %arg3[%swap3A_869, %swap3A_870, %swap3A_871], %swap3A_874 {strides = array<i32>} : memref<16x1x640xi32, #tpu.memory_space<vmem>>, vector<1x1x576xi32>,
    %eq3A_875 = vector.broadcast %broadcast_in_dim3A_866 : vector<1x576xf32> to vector<1024x576xf32>
    %eq3A_876 = arith.cmpf oeq, %select_n3A_863, %eq3A_875 : vector<1024x576xf32>
    %jit3A_877 = arith.constant 1.000000e+00 : f32
    %jit3A_878 = arith.constant 0.000000e+00 : f32
    %broadcast_in_dim3A_879 = vector.broadcast %jit3A_877 : f32 to vector<1024x576xf32>
    %broadcast_in_dim3A_880 = vector.broadcast %jit3A_878 : f32 to vector<1024x576xf32>
    %select_n3A_881 = arith.select %eq3A_876, %broadcast_in_dim3A_879, %broadcast_in_dim3A_880 : vector<1024x576xi1>, vector<1024x576xf32>
    %get3A_882 = arith.constant 0 : index
    %get3A_883 = arith.constant 0 : index
    %get3A_884 = vector.load %arg6[%get3A_882, %get3A_883] : memref<1024x576xf32, #tpu.memory_space<vmem>>, vector<1024x576xf32>
    %add3A_885 = arith.addf %get3A_884, %select_n3A_881 : vector<1024x576xf32>
    %swap3A_886 = arith.constant 0 : index
    %swap3A_887 = arith.constant 0 : index
    %swap3A_888 = vector.load %arg6[%swap3A_886, %swap3A_887] : memref<1024x576xf32, #tpu.memory_space<vmem>>, vector<1024x576xf32>
    tpu.vector_store %arg6[%swap3A_886, %swap3A_887], %add3A_885 {strides = array<i32>} : memref<1024x576xf32, #tpu.memory_space<vmem>>, vector<1024x576xf32>,
    %get3A_889 = arith.constant 0 : index
    %get3A_890 = arith.constant 0 : index
    %get3A_891 = vector.load %arg8[%get3A_889, %get3A_890] : memref<1x576xf32, #tpu.memory_space<vmem>>, vector<1x576xf32>
    %add3A_892 = arith.addf %get3A_891, %broadcast_in_dim3A_856 : vector<1x576xf32>
    %swap3A_893 = arith.constant 0 : index
    %swap3A_894 = arith.constant 0 : index
    %swap3A_895 = vector.load %arg8[%swap3A_893, %swap3A_894] : memref<1x576xf32, #tpu.memory_space<vmem>>, vector<1x576xf32>
    tpu.vector_store %arg8[%swap3A_893, %swap3A_894], %add3A_892 {strides = array<i32>} : memref<1x576xf32, #tpu.memory_space<vmem>>, vector<1x576xf32>,
    %get3A_896 = arith.constant 15 : index
    %get3A_897 = arith.constant 0 : index
    %get3A_898 = arith.constant 0 : index
    %get3A_899 = vector.load %arg1[%get3A_896, %get3A_897, %get3A_898] : memref<16x64x576xf32, #tpu.memory_space<vmem>>, vector<1x64x576xf32>
    %get3A_900 = vector.shape_cast %get3A_899 : vector<1x64x576xf32> to vector<64x576xf32>
    %mul3A_901 = arith.constant -2.000000e+00 : f32
    %mul3A_902 = vector.broadcast %mul3A_901 : f32 to vector<64x576xf32>
    %mul3A_903 = arith.mulf %get3A_900, %mul3A_902 : vector<64x576xf32>
    %dot_general3A_904 = arith.constant dense<0.000000e+00> : vector<1024x576xf32>
    %dot_general3A_905 = tpu.matmul %get3A_1, %mul3A_903, %dot_general3A_904 {dimension_numbers = #tpu.dot_dimension_numbers<[0], [0], [1], [1], [0, 1, 1, 1], [], []>, transpose_lhs_hint = false} : vector<64x1024xf32>, vector<64x576xf32>, vector<1024x576xf32> -> vector<1024x576xf32>
    %mul3A_906 = arith.mulf %get3A_900, %get3A_900 : vector<64x576xf32>
    %reduce_sum3A_907 = arith.constant dense<0.000000e+00> : vector<576xf32>
    %reduce_sum3A_908 = vector.multi_reduction <add>, %mul3A_906, %reduce_sum3A_907 [0] : vector<64x576xf32> to vector<576xf32>
    %broadcast_in_dim3A_909 = vector.shape_cast %reduce_sum3A_908 : vector<576xf32> to vector<1x576xf32>
    %add3A_910 = vector.broadcast %broadcast_in_dim3A_909 : vector<1x576xf32> to vector<1024x576xf32>
    %add3A_911 = arith.addf %add3A_910, %dot_general3A_905 : vector<1024x576xf32>
    %add3A_912 = vector.broadcast %get3A_6 : vector<1024x1xf32> to vector<1024x576xf32>
    %add3A_913 = arith.addf %add3A_911, %add3A_912 : vector<1024x576xf32>
    %reduce_min3A_914 = arith.constant dense<0x7F800000> : vector<576xf32>
    %reduce_min3A_915 = vector.multi_reduction <minimumf>, %add3A_913, %reduce_min3A_914 [0] : vector<1024x576xf32> to vector<576xf32>
    %broadcast_in_dim3A_916 = vector.shape_cast %reduce_min3A_915 : vector<576xf32> to vector<1x576xf32>
    %iota3A_917 = tpu.iota {dimensions = array<i32: 0>} : vector<1024x576xi32>
    %convert_element_type3A_918 = arith.sitofp %iota3A_917 : vector<1024x576xi32> to vector<1024x576xf32>
    %eq3A_919 = vector.broadcast %broadcast_in_dim3A_916 : vector<1x576xf32> to vector<1024x576xf32>
    %eq3A_920 = arith.cmpf oeq, %add3A_913, %eq3A_919 : vector<1024x576xf32>
    %jit3A_921 = arith.constant 1.024000e+03 : f32
    %broadcast_in_dim3A_922 = vector.broadcast %jit3A_921 : f32 to vector<1024x576xf32>
    %select_n3A_923 = arith.select %eq3A_920, %convert_element_type3A_918, %broadcast_in_dim3A_922 : vector<1024x576xi1>, vector<1024x576xf32>
    %reduce_min3A_924 = arith.constant dense<0x7F800000> : vector<576xf32>
    %reduce_min3A_925 = vector.multi_reduction <minimumf>, %select_n3A_923, %reduce_min3A_924 [0] : vector<1024x576xf32> to vector<576xf32>
    %broadcast_in_dim3A_926 = vector.shape_cast %reduce_min3A_925 : vector<576xf32> to vector<1x576xf32>
    %convert_element_type3A_927 = arith.fptosi %broadcast_in_dim3A_926 : vector<1x576xf32> to vector<1x576xi32>
    %reshape3A_928 = vector.shape_cast %convert_element_type3A_927 : vector<1x576xi32> to vector<576xi32>
    %swap3A_929 = arith.constant 15 : index
    %swap3A_930 = arith.constant 0 : index
    %swap3A_931 = arith.constant 0 : index
    %swap3A_932 = vector.load %arg3[%swap3A_929, %swap3A_930, %swap3A_931] : memref<16x1x640xi32, #tpu.memory_space<vmem>>, vector<1x1x576xi32>
    %swap3A_933 = vector.shape_cast %swap3A_932 : vector<1x1x576xi32> to vector<576xi32>
    %swap3A_934 = vector.shape_cast %reshape3A_928 : vector<576xi32> to vector<1x1x576xi32>
    tpu.vector_store %arg3[%swap3A_929, %swap3A_930, %swap3A_931], %swap3A_934 {strides = array<i32>} : memref<16x1x640xi32, #tpu.memory_space<vmem>>, vector<1x1x576xi32>,
    %eq3A_935 = vector.broadcast %broadcast_in_dim3A_926 : vector<1x576xf32> to vector<1024x576xf32>
    %eq3A_936 = arith.cmpf oeq, %select_n3A_923, %eq3A_935 : vector<1024x576xf32>
    %jit3A_937 = arith.constant 1.000000e+00 : f32
    %jit3A_938 = arith.constant 0.000000e+00 : f32
    %broadcast_in_dim3A_939 = vector.broadcast %jit3A_937 : f32 to vector<1024x576xf32>
    %broadcast_in_dim3A_940 = vector.broadcast %jit3A_938 : f32 to vector<1024x576xf32>
    %select_n3A_941 = arith.select %eq3A_936, %broadcast_in_dim3A_939, %broadcast_in_dim3A_940 : vector<1024x576xi1>, vector<1024x576xf32>
    %get3A_942 = arith.constant 0 : index
    %get3A_943 = arith.constant 0 : index
    %get3A_944 = vector.load %arg6[%get3A_942, %get3A_943] : memref<1024x576xf32, #tpu.memory_space<vmem>>, vector<1024x576xf32>
    %add3A_945 = arith.addf %get3A_944, %select_n3A_941 : vector<1024x576xf32>
    %swap3A_946 = arith.constant 0 : index
    %swap3A_947 = arith.constant 0 : index
    %swap3A_948 = vector.load %arg6[%swap3A_946, %swap3A_947] : memref<1024x576xf32, #tpu.memory_space<vmem>>, vector<1024x576xf32>
    tpu.vector_store %arg6[%swap3A_946, %swap3A_947], %add3A_945 {strides = array<i32>} : memref<1024x576xf32, #tpu.memory_space<vmem>>, vector<1024x576xf32>,
    %get3A_949 = arith.constant 0 : index
    %get3A_950 = arith.constant 0 : index
    %get3A_951 = vector.load %arg8[%get3A_949, %get3A_950] : memref<1x576xf32, #tpu.memory_space<vmem>>, vector<1x576xf32>
    %add3A_952 = arith.addf %get3A_951, %broadcast_in_dim3A_916 : vector<1x576xf32>
    %swap3A_953 = arith.constant 0 : index
    %swap3A_954 = arith.constant 0 : index
    %swap3A_955 = vector.load %arg8[%swap3A_953, %swap3A_954] : memref<1x576xf32, #tpu.memory_space<vmem>>, vector<1x576xf32>
    tpu.vector_store %arg8[%swap3A_953, %swap3A_954], %add3A_952 {strides = array<i32>} : memref<1x576xf32, #tpu.memory_space<vmem>>, vector<1x576xf32>,
    %eq3A_956 = arith.constant 1 : i32
    %eq3A_957 = arith.cmpi eq, %arg0, %eq3A_956 : i32
    %convert_element_type3A_958 = arith.extui %eq3A_957 : i1 to i32
    %cond3A_959 = arith.constant 0 : i32
    %cond3A_960 = arith.cmpi ne, %convert_element_type3A_958, %cond3A_959 : i32
    scf.if %cond3A_960 {
      %get3A_961 = arith.constant 0 : index
      %get3A_962 = arith.constant 0 : index
      %get3A_963 = vector.load %arg6[%get3A_961, %get3A_962] : memref<1024x576xf32, #tpu.memory_space<vmem>>, vector<1024x576xf32>
      %reduce_sum3A_964 = arith.constant dense<0.000000e+00> : vector<1024xf32>
      %reduce_sum3A_965 = vector.multi_reduction <add>, %get3A_963, %reduce_sum3A_964 [1] : vector<1024x576xf32> to vector<1024xf32>
      %broadcast_in_dim3A_966 = vector.shape_cast %reduce_sum3A_965 : vector<1024xf32> to vector<1024x1xf32>
      %div3A = arith.constant 1.843200e+04 : f32
      %div3A_967 = vector.broadcast %div3A : f32 to vector<1024x1xf32>
      %div3A_968 = arith.divf %broadcast_in_dim3A_966, %div3A_967 : vector<1024x1xf32>
      %add3A_969 = arith.constant 1.000000e-10 : f32
      %add3A_970 = vector.broadcast %add3A_969 : f32 to vector<1024x1xf32>
      %add3A_971 = arith.addf %div3A_968, %add3A_970 : vector<1024x1xf32>
      %log3A = math.log %add3A_971 : vector<1024x1xf32>
      %mul3A_972 = arith.mulf %div3A_968, %log3A : vector<1024x1xf32>
      %reduce_sum3A_973 = vector.shape_cast %mul3A_972 : vector<1024x1xf32> to vector<1x1024x1xf32>
      %reduce_sum3A_974 = arith.constant dense<0.000000e+00> : vector<1xf32>
      %reduce_sum3A_975 = vector.multi_reduction <add>, %reduce_sum3A_973, %reduce_sum3A_974 [1, 2] : vector<1x1024x1xf32> to vector<1xf32>
      %reduce_sum3A_976 = vector.shape_cast %reduce_sum3A_975 : vector<1xf32> to vector<1x1x1xf32>
      %reduce_sum3A_977 = vector.extract %reduce_sum3A_976[0, 0, 0] : f32 from vector<1x1x1xf32>
      %neg3A = arith.constant 0.000000e+00 : f32
      %neg3A_978 = arith.subf %neg3A, %reduce_sum3A_977 : f32
      %exp3A = math.exp %neg3A_978 : f32
      %swap3A_979 = arith.constant 0 : index
      %swap3A_980 = arith.constant 0 : index
      %swap3A_981 = memref.load %arg5[%swap3A_979, %swap3A_980] : memref<1x1xf32, #tpu.memory_space<smem>>
      memref.store %exp3A, %arg5[%swap3A_979, %swap3A_980] : memref<1x1xf32, #tpu.memory_space<smem>>
      %get3A_982 = arith.constant 0 : index
      %get3A_983 = arith.constant 0 : index
      %get3A_984 = vector.load %arg8[%get3A_982, %get3A_983] : memref<1x576xf32, #tpu.memory_space<vmem>>, vector<1x576xf32>
      %reduce_sum3A_985 = vector.shape_cast %get3A_984 : vector<1x576xf32> to vector<1x1x576xf32>
      %reduce_sum3A_986 = arith.constant dense<0.000000e+00> : vector<1xf32>
      %reduce_sum3A_987 = vector.multi_reduction <add>, %reduce_sum3A_985, %reduce_sum3A_986 [1, 2] : vector<1x1x576xf32> to vector<1xf32>
      %reduce_sum3A_988 = vector.shape_cast %reduce_sum3A_987 : vector<1xf32> to vector<1x1x1xf32>
      %reduce_sum3A_989 = vector.extract %reduce_sum3A_988[0, 0, 0] : f32 from vector<1x1x1xf32>
      %mul3A_990 = arith.constant 1.250000e+00 : f32
      %mul3A_991 = arith.mulf %mul3A_990, %reduce_sum3A_989 : f32
      %div3A_992 = arith.constant 0x49900000 : f32
      %div3A_993 = arith.divf %mul3A_991, %div3A_992 : f32
      %swap3A_994 = arith.constant 0 : index
      %swap3A_995 = arith.constant 0 : index
      %swap3A_996 = memref.load %arg4[%swap3A_994, %swap3A_995] : memref<1x1xf32, #tpu.memory_space<smem>>
      memref.store %div3A_993, %arg4[%swap3A_994, %swap3A_995] : memref<1x1xf32, #tpu.memory_space<smem>>
    } else {
    }
    return
  }
  func.func @transform_0(%arg0: i32) -> (i32, i32, i32) {
    %c0_i32 = arith.constant 0 : i32
    %c0_i32_0 = arith.constant 0 : i32
    %c0_i32_1 = arith.constant 0 : i32
    return %arg0, %c0_i32, %c0_i32_0 : i32, i32, i32
  }
  func.func @transform_1(%arg0: i32) -> (i32, i32) {
    %c0_i32 = arith.constant 0 : i32
    %c0_i32_0 = arith.constant 0 : i32
    %c0_i32_1 = arith.constant 0 : i32
    return %c0_i32, %c0_i32_0 : i32, i32
  }
  func.func @transform_2(%arg0: i32) -> (i32, i32, i32) {
    %c0_i32 = arith.constant 0 : i32
    %c0_i32_0 = arith.constant 0 : i32
    %c0_i32_1 = arith.constant 0 : i32
    return %arg0, %c0_i32, %c0_i32_0 : i32, i32, i32
  }
  func.func @transform_3(%arg0: i32) -> (i32, i32) {
    %c0_i32 = arith.constant 0 : i32
    %c0_i32_0 = arith.constant 0 : i32
    %c0_i32_1 = arith.constant 0 : i32
    return %c0_i32, %c0_i32_0 : i32, i32
  }
  func.func @transform_4(%arg0: i32) -> (i32, i32) {
    %c0_i32 = arith.constant 0 : i32
    %c0_i32_0 = arith.constant 0 : i32
    %c0_i32_1 = arith.constant 0 : i32
    return %c0_i32, %c0_i32_0 : i32, i32
  }
}

</mosaic_0001>

<sc_bundles>
// kernel: kernel.4.cloned.1.call-start
scs
__scs_entry_jumppad:
0x0: {  	(pc) =	sbr.rel $0x88, $3  }
0x1: {  	(tag) =	ssettag $0x0;
	lr =	simm.s32 $0x1  }
0x2: {  	[smem:$0x3F9F] =	sst lr;
	_ =	strace $0xD0000000  }
0x3: {  	_ = 	snop  }
0x4: {  	_ = 	snop  }
0x5: {  	_ = 	snop  }
0x6: {  	_ = 	snop  }
0x7: {  	_ = 	snop  }
__scs_overlays_trampoline_lowered:
0x8: {  	[smem:$0x3FAE] =	sst s0  }
0x9: {  	[smem:$0x3FAF] =	sst s1  }
0xa: {  	[smem:$0x3FB0] =	sst s2  }
0xb: {  	[smem:$0x3FB1] =	sst s3  }
0xc: {  	[smem:$0x3FB2] =	sst s4  }
0xd: {  	[smem:$0x3FB3] =	sst s5  }
0xe: {  	[smem:$0x3FB4] =	sst s6  }
0xf: {  	[smem:$0x3FB5] =	sst s7  }
0x10: {  	[smem:$0x3FB6] =	sst s8  }
0x11: {  	[smem:$0x3FB7] =	sst s9;
	s0 =	simm.s32 @!p0 $0x0  }
0x12: {  	s1 =	sld [smem:$0x3F9D];
	s0 =	simm.s32 @p0 $0x1  }
0x13: {  	[smem:$0x3FB8] =	sst s0;
	s0 =	simm.s32 @!p1 $0x0  }
0x14: {  	s2 =	sld [smem:$0x3F9C];
	s0 =	simm.s32 @p1 $0x1  }
0x15: {  	[smem:$0x3FB9] =	sst s0;
	s0 =	simm.s32 @!p2 $0x0  }
0x16: {  	s3 =	sld [smem:$0x3FDB];
	s0 =	simm.s32 @p2 $0x1  }
0x17: {  	s4 =	simm.s32 $0x1BF5;
	[smem:$0x3FBB] =	sst s0  }
0x18: {  	s0 =	sld [smem:$0x3F9E];
	_ =	swait.ge [sflag:s4], $0x0  }
0x19: {  	s7 =	sld [smem:$0x3F9F]  }
0x1a: {  	s8 =	sadd.s32 $0xFFFFE003, lr  }
0x1b: {  	s9 =	sadd.s32 $0xFFFFFEF7, lr;
	s5 =	simm.s32 $0xFFFFFFFF;
	p2 =	slt.u32 s8, $0xFFFFF086  }
0x1c: {  	p1 =	slt.u32 s9, $0xF7A;
	s5 =	simm.s32 @!p2 $0x0  }
0x1d: {  	s5 =	simm.s32 @p1 $0x1;
	p0 =	seq.s32 s7, s2  }
0x1e: {  	s7 =	smul.u32 @!p0 $0xF7A, s2;
	p2 =	seq.s32 @!p0 s5, $0x0  }
0x1f: {  	s9 =	smul.u32 $0xF7A, s1;
	s8 =	simm.s32 @!p0 $0x1BF5;
	p2 =	por !p2, p0  }
0x20: {  	[sflag:s8] =	ssyncset.s32 @!p0 $0xFFFFF086;
	s6 =	sadd.s32 @!p0 s3, s7;
	s7 =	simm.s32 @!p0 $0x108  }
0x21: {  	s3 =	sadd.s32 s3, s9;
	s6 =	sadd.s32 @!p0 $0x88, s6;
	s7 =	simm.s32 @p2 $0x1082  }
0x22: {  	[simem:s7], [sflag:s8] =	dma.local @!p0 [hbm:s6], $0xF7A  }
0x23: {  	s9 =	sor.u32 $0xD0000000, s2;
	s6 =	simm.s32 $0x108;
	_ =	swait.ge @!p0 [sflag:s8], $0x0  }
0x24: {  	s3 =	sadd.s32 $0x88, s3;
	s6 =	simm.s32 @!p1 $0x1082;
	[sflag:s4] =	ssyncset.s32 $0xFFFFF086  }
0x25: {  	[simem:s6], [sflag:s4] =	dma.local [hbm:s3], $0xF7A  }
0x26: {  	[smem:$0x3F9F] =	sst s1;
	(tag) =	ssettag s2;
	_ =	strace s9  }
0x27: {  	s1 =	sld [smem:$0x3FAF]  }
0x28: {  	s2 =	sld [smem:$0x3FB0]  }
0x29: {  	s4 =	sld [smem:$0x3FB2]  }
0x2a: {  	p0 =	seq.s32 s5, $0x0;
	s5 =	sld [smem:$0x3FB3]  }
0x2b: {  	s6 =	sld [smem:$0x3FB4]  }
0x2c: {  	s7 =	sld [smem:$0x3FB5]  }
0x2d: {  	s3 =	simm.s32 $0x108;
	s8 =	sld [smem:$0x3FB6]  }
0x2e: {  	s3 =	simm.s32 @!p0 $0x1082;
	s9 =	sld [smem:$0x3FB7]  }
0x2f: {  	lr =	sadd.s32 s0, s3;
	s0 =	sld [smem:$0x3FAE]  }
0x30: {  	s3 =	sld [smem:$0x3FB1]  }
0x31: {  	[smem:$0x3FBA] =	sst s10  }
0x32: {  	s10 =	sld [smem:$0x3FB8];
	_ =	sdelay $0x3  }
0x33: {  	p0 =	seq.s32 s10, $0x1;
	s10 =	sld [smem:$0x3FBA];
	_ =	sdelay $0x3  }
0x34: {  	[smem:$0x3FBA] =	sst s10  }
0x35: {  	s10 =	sld [smem:$0x3FB9];
	_ =	sdelay $0x3  }
0x36: {  	p1 =	seq.s32 s10, $0x1;
	s10 =	sld [smem:$0x3FBA];
	_ =	sdelay $0x3  }
0x37: {  	[smem:$0x3FBA] =	sst s10  }
0x38: {  	s10 =	sld [smem:$0x3FBB]  }
0x39: {  	_ = 	snop;
	(pc) =	sbr.ind lr, $3  }
0x3a: {  	_ = 	snop  }
0x3b: {  	_ = 	snop  }
0x3c: {  	p2 =	seq.s32 s10, $0x1;
	s10 =	sld [smem:$0x3FBA]  }
0x3d: {  	_ =	shalt  }
0x3e: {  	_ =	shalt  }
0x3f: {  	_ =	shalt  }
0x40: {  	_ =	shalt  }
0x41: {  	_ =	shalt  }
0x42: {  	_ =	shalt  }
0x43: {  	_ =	shalt  }
0x44: {  	_ =	shalt  }
0x45: {  	_ =	shalt  }
0x46: {  	_ =	shalt  }
0x47: {  	_ =	shalt  }
0x48: {  	_ =	shalt  }
0x49: {  	_ =	shalt  }
0x4a: {  	_ =	shalt  }
0x4b: {  	_ =	shalt  }
0x4c: {  	_ =	shalt  }
0x4d: {  	_ =	shalt  }
0x4e: {  	_ =	shalt  }
0x4f: {  	_ =	shalt  }
0x50: {  	_ =	shalt  }
0x51: {  	_ =	shalt  }
0x52: {  	_ =	shalt  }
0x53: {  	_ =	shalt  }
0x54: {  	_ =	shalt  }
0x55: {  	_ =	shalt  }
0x56: {  	_ =	shalt  }
0x57: {  	_ =	shalt  }
0x58: {  	_ =	shalt  }
0x59: {  	_ =	shalt  }
0x5a: {  	_ =	shalt  }
0x5b: {  	_ =	shalt  }
0x5c: {  	_ =	shalt  }
0x5d: {  	_ =	shalt  }
0x5e: {  	_ =	shalt  }
0x5f: {  	_ =	shalt  }
0x60: {  	_ =	shalt  }
0x61: {  	_ =	shalt  }
0x62: {  	_ =	shalt  }
0x63: {  	_ =	shalt  }
0x64: {  	_ =	shalt  }
0x65: {  	_ =	shalt  }
0x66: {  	_ =	shalt  }
0x67: {  	_ =	shalt  }
0x68: {  	_ =	shalt  }
0x69: {  	_ =	shalt  }
0x6a: {  	_ =	shalt  }
0x6b: {  	_ =	shalt  }
0x6c: {  	_ =	shalt  }
0x6d: {  	_ =	shalt  }
0x6e: {  	_ =	shalt  }
0x6f: {  	_ =	shalt  }
0x70: {  	_ =	shalt  }
0x71: {  	_ =	shalt  }
0x72: {  	_ =	shalt  }
0x73: {  	_ =	shalt  }
0x74: {  	_ =	shalt  }
0x75: {  	_ =	shalt  }
0x76: {  	_ =	shalt  }
0x77: {  	_ =	shalt  }
0x78: {  	_ =	shalt  }
0x79: {  	_ =	shalt  }
0x7a: {  	_ =	shalt  }
0x7b: {  	_ =	shalt  }
0x7c: {  	_ =	shalt  }
0x7d: {  	_ =	shalt  }
0x7e: {  	_ =	shalt  }
0x7f: {  	_ =	shalt  }
0x80: {  	_ =	shalt  }
0x81: {  	_ =	shalt  }
0x82: {  	_ =	shalt  }
0x83: {  	_ =	shalt  }
0x84: {  	_ =	shalt  }
0x85: {  	_ =	shalt  }
0x86: {  	_ =	shalt  }
0x87: {  	_ =	shalt  }
.Lfunc_end0:
.L_simem_size_0:
called_computation_lowered:
.L_overlay_start_0:
0x88: {  	s2 =	sld [smem:$0x3FD9]  }
0x89: {  	s3 =	sld [smem:$0x3FFE];
	_ =	sdelay $0x1  }
0x8a: {  	s1 =	srdreg.scid  }
0x8b: {  	s0 =	sand.u32 $0x1, s1  }
0x8c: {  	s14 =	sshll.u32 s0, $0xA;
	s2 =	sadd.s32 s3, s2  }
0x8d: {  	s2 =	sadd.s32 s2, s14  }
0x8e: {  	[smem:$0x3FC6] =	sst s2  }
0x8f: {  	_ = 	snop  }
0x90: {  	s2 =	sld [smem:$0x3FD0];
	_ =	sdelay $0x2  }
0x91: {  	s15 =	simm.s32 $0xA;
	s4 =	simm.s32 $0x10  }
0x92: {  	[smem:s4], [sflag:s15] =	dma.local [hbm:s2], $0x1  }
0x93: {  	_ =	swait.eq [sflag:s15], $0x1  }
0x94: {  	[sflag:s15] =	ssyncset.done $0x0  }
0x95: {  	[sflag:s15] =	ssyncadd.s32 $0xFFFFFFFF  }
0x96: {  	s16 =	sld [smem:$0x10];
	(tm) =	ssettm $0x1  }
0x97: {  	s17 =	sld [smem:$0x3FFB];
	_ =	sdelay $0x3  }
0x98: {  	_ =	strace s17  }
0x99: {  	s3 =	sld [smem:$0x3FFC];
	_ =	sdelay $0x3  }
0x9a: {  	_ =	strace s3  }
0x9b: {  	s3 =	sld [smem:$0x3FFD];
	_ =	sdelay $0x3  }
0x9c: {  	_ =	strace s3  }
0x9d: {  	_ =	strace $0x8FFFFFFF  }
0x9e: {  	s18 =	sld [smem:$0x3FDB];
	_ =	sdelay $0x1  }
0x9f: {  	s19 =	simm.s32 $_scs_section_size  }
0xa0: {  	s5 =	simm.s32 $_size__tile_overlayer_lowered;
	s6 =	simm.s32 $_tile_overlayer_lowered  }
0xa1: {  	s22 =	simm.s32 $0x1BFF;
	s21 =	sshll.u32 s6, $0x1;
	s3 =	sadd.s32 s19, s18  }
0xa2: {  	s7 =	simm.s32 $0x0;
	s20 =	sshll.u32 s5, $0x1;
	s5 =	sadd.s32 s21, s3  }
0xa3: {  	[timem:s7], [sflag:s22] =	dma.local [hbm:s5], s20  }
0xa4: {  	_ =	swait.ge [sflag:s22], s20  }
0xa5: {  	s4 =	ssub.s32 $0x0, s20;
	[sflag:s22] =	ssyncset.done $0x0  }
0xa6: {  	[sflag:s22] =	ssyncadd.s32 s4;
	_ =	sdelay $0x1  }
0xa7: {  	s23 =	simm.s32 $0x1B8B  }
0xa8: {  	_ =	swait.ge [sflag:s23], $0x1  }
0xa9: {  	[sflag:s23] =	ssyncset.done $0x0  }
0xaa: {  	s25 =	simm.s32 $0x1B8E;
	s24 =	sld [smem:$0x3FFE];
	[sflag:s23] =	ssyncadd.s32 $0xFFFFFFFF  }
0xab: {  	s26 =	simm.s32 $execute0_lowered;
	[smem:$0x3FD2] =	sst s25  }
0xac: {  	s5 =	sshll.u32 s26, $0x1;
	_ =	strace $0x80000046;
	[dreg:$0x1] =	wrdreg $0xFFFFFFFF  }
0xad: {  	s28 =	simm.s32 $_size_execute0_lowered;
	s3 =	sadd.s32 s3, s5;
	[dreg:$0x0] =	wrdreg $0x0  }
0xae: {  	s5 =	sshll.u32 s28, $0x1;
	[dreg:$0x2] =	wrdreg s3  }
0xaf: {  	[dreg:$0x3] =	wrdreg s5  }
0xb0: {  	[dreg:$0x4] =	wrdreg $0xC0  }
0xb1: {  	_ =	task [dreg:s7], $0x5FFFF  }
0xb2: {  	[dreg:$0x1] =	wrdreg $0xFFFFFFFF  }
0xb3: {  	[dreg:$0x0] =	wrdreg $0x60  }
0xb4: {  	[dreg:$0x2] =	wrdreg s24  }
0xb5: {  	[dreg:$0x3] =	wrdreg s16  }
0xb6: {  	[dreg:$0x4] =	wrdreg $0x9  }
0xb7: {  	_ =	task.clear_ibuf [dreg:s7], $0x5FFFF;
	_ =	strace $0x90000046  }
0xb8: {  	s29 =	simm.s32 $0x9;
	_ =	strace $0x80000048  }
0xb9: {  	_ =	swait.ge [sflag:s29], $0x1  }
0xba: {  	[sflag:s29] =	ssyncadd.s32 $0xFFFFFFFF  }
0xbb: {  	_ =	strace $0x90000048  }
0xbc: {  	_ =	sfence  }
0xbd: {  	s30 =	sld [smem:$0x0];
	_ =	sdelay $0x2  }
0xbe: {  	s31 =	sshll.u32 s1, $0xD;
	s1 =	sshrl.u32 s1, $0x2  }
0xbf: {  	s3 =	sand.u32 $0x4000, s31;
	s1 =	sadd.s32 s1, s30  }
0xc0: {  	s0 =	sor.u32 s3, s0;
	s1 =	sshll.u32 s1, $0x11  }
0xc1: {  	s0 =	sor.u32 s1, s0  }
0xc2: {  	s0 =	sadd.s32 $0x8F2B, s0  }
0xc3: {  	[sflag:s0] =	ssyncadd.remote.s32 $0x1  }
0xc4: {  	_ =	sfence.sel $0xFFFF  }
0xc5: {  	[dreg:$0x0] =	wrdreg $0xFFFFFFFF;
	(pc) =	sbr.abs _section_cstart, $3  }
0xc6: {  	[dreg:$0x1] =	wrdreg $0xFFFFFFFF  }
0xc7: {  	_ =	task.clear_ibuf [dreg:s7], $0x2FFFF;
	_ =	strace $0x9FFFFFFF  }
0xc8: {  	(tm) =	ssettm $0x7FFFFFFF  }
0xc9: {  	_ =	shalt  }
tec
execute0_lowered:
.L_overlay_start_1:
0x0: {  	(tag) =	ssettag $0x1  }
0x1: {  	s1 =	srdreg.scid;
	s0 =	stileid.u32  }
0x2: {  	s17 =	sand.u32 $0x1, s1;
	s30 =	sshll.u32 s0, $0x1  }
0x3: {  	s5 =	rddreg [dreg:$0x0];
	s18 =	sor.u32 s17, s30  }
0x4: {  	s19 =	rddreg [dreg:$0x1];
	s3 =	smul.u32 $0x50, s18  }
0x5: {  	s2 =	simm.s32 $0x0;
	s1 =	rddreg [dreg:$0x2]  }
0x6: {  	[smem:$0x7FF] =	sst s2;
	s3 =	sadd.s32 s3, s5  }
0x7: {  	_ =	strace $0x80000047;
	s4 =	sadd.s32 $0xC00, s3;
	s3 =	simm.s32 $0x2  }
0x8: {  	[tilespmem:s2], [sflag:$0x2] =	stream.linear.gather [hbm4b:s4+s2], $0x240, $0x38;
	[tilespmem:$0x9240] =	vst v63  }
0x9: {  	_ =	swait.ge [sflag:s3], $0x240  }
0xa: {  	s6 =	simm.s32 $0x80;
	[sflag:s3] =	ssyncset.done $0x0  }
0xb: {  	s7 =	simm.s32 $0x240;
	s5 =	sadd.s32 $0x1600, s5;
	[sflag:s3] =	ssyncadd.s32 $0xFFFFFDC0  }
0xc: {  	[tilespmem:s7], [sflag:$0x1] =	stream.indirect.gather [hbm4b:s5+s6], $0x40, s2, s6, $0xb8;
	[tilespmem:$0x9240] =	vst v63  }
0xd: {  	s8 =	simm.s32 $0x2240  }
0xe: {  	[tilespmem:s8], [sflag:$0x1] =	stream.indirect.gather [hbm4b:s5+s6], $0x40, s6, s6, $0xb8;
	[tilespmem:$0x9240] =	vst v63  }
0xf: {  	s9 =	simm.s32 $0x100;
	s10 =	simm.s32 $0x4240  }
0x10: {  	[tilespmem:s10], [sflag:$0x1] =	stream.indirect.gather [hbm4b:s5+s6], $0x40, s9, s6, $0xb8;
	[tilespmem:$0x9240] =	vst v63  }
0x11: {  	s11 =	simm.s32 $0x180;
	s12 =	simm.s32 $0x6240;
	s13 =	simm.s32 $0x40  }
0x12: {  	[tilespmem:s12], [sflag:$0x1] =	stream.indirect.gather [hbm4b:s5+s6], $0x40, s11, s6, $0xb8;
	[tilespmem:$0x9240] =	vst v63  }
0x13: {  	s14 =	simm.s32 $0x200;
	s15 =	simm.s32 $0x8240;
	s16 =	simm.s32 $0x1  }
0x14: {  	[tilespmem:s15], [sflag:$0x1] =	stream.indirect.gather [hbm4b:s5+s13], $0x40, s14, s13, $0xb8;
	[tilespmem:$0x9240] =	vst v63  }
0x15: {  	_ =	swait.ge [sflag:s16], $0x2000  }
0x16: {  	[sflag:s16] =	ssyncset.done $0x0  }
0x17: {  	[sflag:s16] =	ssyncadd.s32 $0xFFFFE000  }
0x18: {  	_ =	swait.ge [sflag:s16], $0x2000  }
0x19: {  	[sflag:s16] =	ssyncset.done $0x0  }
0x1a: {  	[sflag:s16] =	ssyncadd.s32 $0xFFFFE000  }
0x1b: {  	_ =	swait.ge [sflag:s16], $0x2000  }
0x1c: {  	[sflag:s16] =	ssyncset.done $0x0  }
0x1d: {  	s17 =	ssub.s32 $0x2, s17;
	[sflag:s16] =	ssyncadd.s32 $0xFFFFE000  }
0x1e: {  	s20 =	sshrl.u32 s17, $0x1;
	_ =	swait.ge [sflag:s16], $0x2000  }
0x1f: {  	s20 =	ssub.s32 s17, s20;
	[sflag:s16] =	ssyncset.done $0x0  }
0x20: {  	s31 =	smax.u32 s20, $0x1;
	[sflag:s16] =	ssyncadd.s32 $0xFFFFE000  }
0x21: {  	s18 =	smul.u32 $0x1200, s18;
	p0 =	sne.s32 s31, $0x1;
	_ =	swait.ge [sflag:s16], $0x1000  }
.Ltmp0:
0x22: {  	[sflag:s16] =	ssyncset.done $0x0;
	(pc) =	sbr.rel @!p0 .LBB2_2-.Ltmp0, $4  }
0x23: {  	s17 =	sadd.s32 s19, s18;
	[sflag:s16] =	ssyncadd.s32 $0xFFFFF000  }
0x24: {  	[hbm4b:s17+s2] =	stream.linear.scatter [tilespmem:s7], [sflag:$0x2], $0x9000, $0x38;
	[tilespmem:$0x9240] =	vst v63  }
0x25: {  	_ =	swait.ge [sflag:s3], $0x9000  }
0x26: {  	s18 =	sadd.s32 $0xFFFFFFFF, s31;
	[sflag:s3] =	ssyncset.done $0x0  }
.LBB2_1:
0x27: {  	p0 =	sne.s32 s18, $0x1;
	s18 =	sadd.s32 $0xFFFFFFFF, s18;
	[sflag:s3] =	ssyncadd.s32 $0xFFFF7000  }
0x28: {  	[tilespmem:s2], [sflag:$0x2] =	stream.linear.gather [hbm4b:s4+s2], $0x240, $0x38;
	[tilespmem:$0x9240] =	vst v63  }
0x29: {  	_ =	swait.ge [sflag:s3], $0x240  }
0x2a: {  	[sflag:s3] =	ssyncset.done $0x0  }
0x2b: {  	[sflag:s3] =	ssyncadd.s32 $0xFFFFFDC0  }
0x2c: {  	[tilespmem:s7], [sflag:$0x1] =	stream.indirect.gather [hbm4b:s5+s6], $0x40, s2, s6, $0xb8;
	[tilespmem:$0x9240] =	vst v63  }
0x2d: {  	_ = 	snop  }
0x2e: {  	[tilespmem:s8], [sflag:$0x1] =	stream.indirect.gather [hbm4b:s5+s6], $0x40, s6, s6, $0xb8;
	[tilespmem:$0x9240] =	vst v63  }
0x2f: {  	_ = 	snop  }
0x30: {  	[tilespmem:s10], [sflag:$0x1] =	stream.indirect.gather [hbm4b:s5+s6], $0x40, s9, s6, $0xb8;
	[tilespmem:$0x9240] =	vst v63  }
0x31: {  	_ = 	snop  }
0x32: {  	[tilespmem:s12], [sflag:$0x1] =	stream.indirect.gather [hbm4b:s5+s6], $0x40, s11, s6, $0xb8;
	[tilespmem:$0x9240] =	vst v63  }
0x33: {  	_ = 	snop  }
0x34: {  	[tilespmem:s15], [sflag:$0x1] =	stream.indirect.gather [hbm4b:s5+s13], $0x40, s14, s13, $0xb8;
	[tilespmem:$0x9240] =	vst v63  }
0x35: {  	_ =	swait.ge [sflag:s16], $0x2000  }
0x36: {  	[sflag:s16] =	ssyncset.done $0x0  }
0x37: {  	[sflag:s16] =	ssyncadd.s32 $0xFFFFE000  }
0x38: {  	_ =	swait.ge [sflag:s16], $0x2000  }
0x39: {  	[sflag:s16] =	ssyncset.done $0x0  }
0x3a: {  	[sflag:s16] =	ssyncadd.s32 $0xFFFFE000  }
0x3b: {  	_ =	swait.ge [sflag:s16], $0x2000  }
0x3c: {  	[sflag:s16] =	ssyncset.done $0x0  }
0x3d: {  	[sflag:s16] =	ssyncadd.s32 $0xFFFFE000  }
0x3e: {  	_ =	swait.ge [sflag:s16], $0x2000  }
0x3f: {  	[sflag:s16] =	ssyncset.done $0x0  }
0x40: {  	[sflag:s16] =	ssyncadd.s32 $0xFFFFE000  }
0x41: {  	_ =	swait.ge [sflag:s16], $0x1000  }
.Ltmp1:
0x42: {  	[sflag:s16] =	ssyncset.done $0x0;
	(pc) =	sbr.rel @p0 .LBB2_1-.Ltmp1, $4  }
0x43: {  	[sflag:s16] =	ssyncadd.s32 $0xFFFFF000  }
0x44: {  	[hbm4b:s17+s2] =	stream.linear.scatter [tilespmem:s7], [sflag:$0x2], $0x9000, $0x38;
	[tilespmem:$0x9240] =	vst v63  }
0x45: {  	_ =	swait.ge [sflag:s3], $0x9000  }
0x46: {  	[sflag:s3] =	ssyncset.done $0x0  }
.LBB2_2:
0x47: {  	[sflag:s3] =	ssyncadd.s32 $0xFFFF7000  }
0x48: {  	_ =	sfence.sel $0x180000  }
0x49: {  	[bflag:$0x0] =	sbarrier.arrive $0xFFFF  }
0x4a: {  	p0 =	sne.s32 s0, $0x0;
	_ =	strace $0x90000047  }
0x4b: {  	s0 =	sadd.s32 @!p0 $0x100000, s1;
	[bflag:$0x2] =	sbarrier.arrive $0xFFFF  }
0x4c: {  	[sflag:s0] =	ssyncadd.tile.s32 @!p0 $0x1;
	_ =	shalt  }
.Lfunc_end2:
_tile_overlayer_lowered:
.L_overlay_start_2:
0x4d: {  	(tag) =	ssettag $0x2  }
0x4e: {  	s0 =	rddreg [dreg:$0x0];
	s2 =	stileid.u32  }
0x4f: {  	s1 =	rddreg [dreg:$0x1];
	p0 =	sne.s32 s2, $0x0  }
0x50: {  	s3 =	rddreg [dreg:$0x2];
	[bflag:$0x3] =	sbarrier.arrive $0xFFFF;
	s2 =	simm.s32 @!p0 $0x1C02  }
0x51: {  	[timem:s3], [sflag:s2] =	dma.local @!p0 [hbm:s0], s1  }
0x52: {  	s0 =	simm.s32 @!p0 $0x2  }
0x53: {  	_ =	swait.ge @!p0 [sflag:s0], s1  }
0x54: {  	s1 =	ssub.s32 @!p0 $0x0, s1;
	[sflag:s0] =	ssyncset.done @!p0 $0x0  }
0x55: {  	[sflag:s0] =	ssyncadd.s32 @!p0 s1  }
0x56: {  	[bflag:$0x3] =	sbarrier.arrive $0xFFFF  }
0x57: {  	_ =	shalt  }

</sc_bundles>
